<compile_context>
chip_gen: v7x
topology: tpu7x:2x2x1
jax: 0.10.2.dev20260603
libtpu: 0.0.44.dev20260713+nightly
codegen_flags: <defaults>
</compile_context>

<pallas_src>
import functools

import jax
import jax.numpy as jnp
from jax import lax
from jax.experimental import pallas as pl
from jax.experimental.pallas import tpu as pltpu
from jax.experimental.pallas import tpu_sc as plsc

RATIO = 4


def _entropy_topk_body(attn_ref, gidx_ref, ent_s, idx_s, idx_all):
    h = pl.program_id(0)
    k = pl.program_id(1)
    nh = pl.num_programs(0) - 1
    nk = pl.num_programs(1)

    @pl.when(h < nh)
    def _entropy():
        a = attn_ref[...]
        e = (jnp.exp(a) * a)[0]
        lb, s = e.shape
        acc = e[:, 0:128]
        for t in range(1, s // 128):
            acc = acc + e[:, t * 128:(t + 1) * 128]
        tp = acc.T.reshape(16, 8, lb)
        p = tp[0]
        for t in range(1, 16):
            p = p + tp[t]
        t1 = p[0:4] + p[4:8]
        t2 = t1[0:2] + t1[2:4]
        v = t2[0:1] + t2[1:2]
        ent_s[pl.ds(h % 2, 1), pl.ds(k, 1), :] = v.reshape(1, 1, v.shape[-1])

    @pl.when(h >= 1)
    def _topk_chunk():
        hh = h - 1
        rm = (h + 1) % 2
        nck, lb = ent_s.shape[1], ent_s.shape[2]
        kk = idx_s.shape[-1]
        ci = k
        v8 = ent_s[pl.ds(rm, 1)][0]
        vi_row = ent_s[pl.ds(rm, 1), pl.ds(ci, 1), :].reshape(1, lb)
        vi_col = vi_row.reshape(lb, 1)
        cntmat = None
        jj = lax.broadcasted_iota(jnp.int32, (lb, lb), 1)
        ii = lax.broadcasted_iota(jnp.int32, (lb, lb), 0)
        intra = jj < ii
        for cj in range(nck):
            vj = v8[cj:cj + 1, :]
            gt = vj > vi_col
            eq = vj == vi_col
            w = jnp.where(cj < ci, 1.0, 0.0)
            mf = jnp.where(gt, 1.0, jnp.where(eq, w, 0.0))
            cntmat = mf if cntmat is None else cntmat + mf
        cntmat = cntmat + jnp.where((vi_row == vi_col) & intra, 1.0, 0.0)
        cnt = jnp.sum(cntmat, axis=1, keepdims=True)
        rr = lax.broadcasted_iota(jnp.int32, (lb, kk), 1).astype(jnp.float32)
        onehot = cnt == rr
        gi = (lax.broadcasted_iota(jnp.int32, (lb, kk), 0).astype(jnp.float32)
              + ci.astype(jnp.float32) * lb)
        contrib = jnp.sum(jnp.where(onehot, gi, 0.0), axis=0, keepdims=True)

        @pl.when(k == 0)
        def _():
            idx_s[...] = contrib

        @pl.when(k > 0)
        def _():
            idx_s[...] = idx_s[...] + contrib

        @pl.when(k == nk - 1)
        def _():
            idx_all[pl.ds(hh, 1), :] = idx_s[...]

        @pl.when((h == nh) & (k == nk - 1))
        def _():
            nhh, kk2 = idx_all.shape
            tr = idx_all[...].T.astype(jnp.int32) * 16
            tr = tr + lax.broadcasted_iota(jnp.int32, (kk2, nhh), 1)
            gidx_ref[...] = tr.reshape(gidx_ref.shape)


def _entropy_topk(attn3, num_output):
    nh, l, s = attn3.shape
    lb = 1024
    nk = l // lb

    def attn_map(h, k):
        return (jnp.minimum(h, nh - 1), jnp.where(h == nh, nk - 1, k), 0)

    return pl.pallas_call(
        _entropy_topk_body,
        grid=(nh + 1, nk),
        in_specs=[pl.BlockSpec((1, lb, s), attn_map)],
        out_specs=pl.BlockSpec((1, num_output, nh), lambda h, k: (0, 0, 0)),
        out_shape=jax.ShapeDtypeStruct((1, num_output, nh), jnp.int32),
        scratch_shapes=[
            pltpu.VMEM((2, nk, lb), jnp.float32),
            pltpu.VMEM((1, num_output), jnp.float32),
            pltpu.VMEM((nh, num_output), jnp.float32),
        ],
    )(attn3)


def _sc_gather(xf, cf, gidx, num_rows):
    mesh = plsc.VectorSubcoreMesh(core_axis_name="c", subcore_axis_name="s")
    info = plsc.get_sparse_core_info()
    nw = info.num_cores * info.num_subcores
    rows_per_w = num_rows // nw
    cols_per_w = rows_per_w // 16

    @functools.partial(
        pl.kernel,
        out_type=(
            jax.ShapeDtypeStruct((num_rows, 64), jnp.float32),
            jax.ShapeDtypeStruct((num_rows, 64), jnp.float32),
        ),
        mesh=mesh,
        compiler_params=pltpu.CompilerParams(use_tc_tiling_on_sc=False),
        scratch_types=[
            pltpu.VMEM((rows_per_w,), jnp.int32),
            pltpu.VMEM((rows_per_w, 64), jnp.float32),
            pltpu.VMEM((rows_per_w, 64), jnp.float32),
            pltpu.SemaphoreType.DMA,
            pltpu.SemaphoreType.DMA,
            pltpu.SemaphoreType.DMA,
        ],
    )
    def gk(xf_hbm, cf_hbm, gidx_hbm, xo_hbm, co_hbm, tile_v, xr_v, cr_v,
           si, sx, sc):
        wid = lax.axis_index("s") * info.num_cores + lax.axis_index("c")
        base = wid * rows_per_w
        pltpu.sync_copy(gidx_hbm.at[pl.ds(base, rows_per_w)], tile_v)
        copies = []
        for rr in range(cols_per_w):
            seg = tile_v.at[pl.ds(rr * 16, 16)]
            copies.append(pltpu.async_copy(
                xf_hbm.at[seg], xr_v.at[pl.ds(rr * 16, 16)], sx))
            copies.append(pltpu.async_copy(
                cf_hbm.at[seg], cr_v.at[pl.ds(rr * 16, 16)], sc))
        for cp in copies:
            cp.wait()
        pltpu.sync_copy(xr_v, xo_hbm.at[pl.ds(base, rows_per_w)])
        pltpu.sync_copy(cr_v, co_hbm.at[pl.ds(base, rows_per_w)])

    return gk(xf, cf, gidx)


def kernel(x, coord, attn):
    b, l, c = x.shape
    nh, s = attn.shape[1], attn.shape[3]
    num_output = l // RATIO
    ch = c // nh

    gidx = _entropy_topk(attn.reshape(nh, l, s), num_output)
    gidx = gidx.reshape(nh * num_output)

    xf = x.reshape(l * nh, ch)
    cf = coord.reshape(l * nh, ch)
    xo, co = _sc_gather(xf, cf, gidx, num_output * nh)
    return (xo.reshape(b, num_output, c), co.reshape(b, num_output, c))

# --- scband reference (transcript-rebuilt; emitter-appended) ---
"""Pipeline reference for scband-entropy-down-38285338476634 (READ-ONLY COPY).

The authoritative reference and input builder live on the scoring server;
editing this copy changes nothing except your own understanding.
"""

import jax, jax.numpy as jnp
import numpy as np

RATIO = 4

def setup_inputs(seed: int = 0) -> dict:
    key = jax.random.key(seed)
    k1, k2, k3 = jax.random.split(key, 3)
    B, L, C, nH, S = 1, 2048, 1024, 16, 2048
    x = jax.random.normal(k1, (B, L, C), dtype=jnp.float32)
    coord = jax.random.normal(k2, (B, L, C), dtype=jnp.float32)
    attn = jax.random.normal(k3, (B, nH, L, S), dtype=jnp.float32)
    return {"x": x, "coord": coord, "attn": attn}

def reference(x, coord, attn):
    ratio = RATIO
    B, L, C = x.shape
    nH, S = attn.shape[1], attn.shape[3]
    num_output = L // ratio
    c = C // nH
    # rearrange 'b l (nh c) -> b nh l c'
    xh = x.reshape(B, L, nH, c).transpose(0, 2, 1, 3)
    ch = coord.reshape(B, L, nH, c).transpose(0, 2, 1, 3)
    # negative entropy per head per query token: sum(p * log p) with attn = log p
    neg_entropy = jnp.sum(jnp.exp(attn) * attn, axis=-1)  # [B, nH, L]
    _, indices = jax.lax.top_k(neg_entropy, num_output)   # [B, nH, num_output]
    idx = indices[:, :, :, None]  # broadcast over channel dim
    xg = jnp.take_along_axis(xh, idx, axis=2)   # [B, nH, num_output, c]
    cg = jnp.take_along_axis(ch, idx, axis=2)
    # rearrange 'b nh ol c -> b ol (nh c)'
    x_out = xg.transpose(0, 2, 1, 3).reshape(B, num_output, C)
    c_out = cg.transpose(0, 2, 1, 3).reshape(B, num_output, C)
    return (x_out, c_out)

if __name__ == "__main__":
    import jax
    _d = setup_inputs()
    print(jax.jit(kernel)(*tuple(_d.values())))

</pallas_src>

<mosaic_0001>
#map = affine_map<(d0, d1) -> (0, 0)>
#map1 = affine_map<(d0, d1) -> (0)>
module attributes {stable_mosaic.version = 14 : i64} {
  func.func @gk(%arg0: i32, %arg1: i32, %arg2: memref<32768x64xf32, #tpu.memory_space<hbm>>, %arg3: memref<32768x64xf32, #tpu.memory_space<hbm>>, %arg4: memref<8192xi32, #tpu.memory_space<hbm>>, %arg5: memref<8192x64xf32, #tpu.memory_space<hbm>>, %arg6: memref<8192x64xf32, #tpu.memory_space<hbm>>, %arg7: memref<256xi32, #tpu.memory_space<vmem>>, %arg8: memref<256x64xf32, #tpu.memory_space<vmem>>, %arg9: memref<256x64xf32, #tpu.memory_space<vmem>>, %arg10: memref<!tpu.dma_semaphore, #tpu.memory_space<semaphore_mem>>, %arg11: memref<!tpu.dma_semaphore, #tpu.memory_space<semaphore_mem>>, %arg12: memref<!tpu.dma_semaphore, #tpu.memory_space<semaphore_mem>>) attributes {dimension_semantics = [#tpu.dimension_semantics<core_parallel>, #tpu.dimension_semantics<subcore_parallel>], iteration_bounds = array<i64: 2, 16>, scalar_prefetch = 0 : i64, scratch_operands = 6 : i64, tpu.core_type = #tpu.core_type<sc_vector_subcore>, window_params = [{transform_indices = #map}, {transform_indices = #map}, {transform_indices = #map1}, {transform_indices = #map}, {transform_indices = #map}]} {
    %mul3A = arith.constant 2 : i32
    %mul3A_0 = arith.muli %arg1, %mul3A : i32
    %add3A = arith.addi %mul3A_0, %arg0 : i32
    %mul3A_1 = arith.constant 256 : i32
    %mul3A_2 = arith.muli %add3A, %mul3A_1 : i32
    "tpu.region"() ({
      %run_scoped3A = tpu.sem_alloc : memref<!tpu.dma_semaphore, #tpu.memory_space<semaphore_mem>>
      %dma_start3A_513 = tpu.memref_slice %arg4[%mul3A_2] : memref<8192xi32, #tpu.memory_space<hbm>> -> memref<256xi32, #tpu.memory_space<hbm>>
      %dma_start3A_514 = tpu.memref_slice %arg4[%mul3A_2] : memref<8192xi32, #tpu.memory_space<hbm>> -> memref<256xi32, #tpu.memory_space<hbm>>
      tpu.enqueue_dma source(%dma_start3A_514 : memref<256xi32, #tpu.memory_space<hbm>>) target(%arg7 : memref<256xi32, #tpu.memory_space<vmem>>) target_semaphore(%run_scoped3A : memref<!tpu.dma_semaphore, #tpu.memory_space<semaphore_mem>>)
      %dma_wait3A_515 = tpu.memref_slice %arg4[%mul3A_2] : memref<8192xi32, #tpu.memory_space<hbm>> -> memref<256xi32, #tpu.memory_space<hbm>>
      %dma_wait3A_516 = tpu.memref_slice %arg4[%mul3A_2] : memref<8192xi32, #tpu.memory_space<hbm>> -> memref<256xi32, #tpu.memory_space<hbm>>
      tpu.wait_dma2 semaphore(%run_scoped3A : memref<!tpu.dma_semaphore, #tpu.memory_space<semaphore_mem>>) src(%dma_wait3A_516 : memref<256xi32, #tpu.memory_space<hbm>>) dst(%arg7 : memref<256xi32, #tpu.memory_space<vmem>>)
      tpu.yield
    }) : () -> ()
    %dma_start3A = arith.constant 0 : i32
    %dma_start3A_3 = arith.constant 0 : i32
    %dma_start3A_4 = tpu.memref_slice %arg8[%dma_start3A, %dma_start3A_3] : memref<256x64xf32, #tpu.memory_space<vmem>> -> memref<16x64xf32, #tpu.memory_space<vmem>>
    %dma_start3A_5 = arith.constant 0 : i32
    %dma_start3A_6 = tpu.memref_slice %arg7[%dma_start3A_5] : memref<256xi32, #tpu.memory_space<vmem>> -> memref<16xi32, #tpu.memory_space<vmem>>
    %dma_start3A_7 = arith.constant 0 : i32
    %dma_start3A_8 = arith.constant 0 : i32
    %dma_start3A_9 = tpu.memref_slice %arg2[%dma_start3A_7, %dma_start3A_8] : memref<32768x64xf32, #tpu.memory_space<hbm>> -> memref<32768x64xf32, #tpu.memory_space<hbm>>
    tpu.enqueue_indirect_dma source(%dma_start3A_9 : memref<32768x64xf32, #tpu.memory_space<hbm>>) target(%dma_start3A_4 : memref<16x64xf32, #tpu.memory_space<vmem>>) offsets(%dma_start3A_6 : memref<16xi32, #tpu.memory_space<vmem>>) semaphore(%arg11 : memref<!tpu.dma_semaphore, #tpu.memory_space<semaphore_mem>>)
    %dma_start3A_10 = arith.constant 0 : i32
    %dma_start3A_11 = arith.constant 0 : i32
    %dma_start3A_12 = tpu.memref_slice %arg9[%dma_start3A_10, %dma_start3A_11] : memref<256x64xf32, #tpu.memory_space<vmem>> -> memref<16x64xf32, #tpu.memory_space<vmem>>
    %dma_start3A_13 = arith.constant 0 : i32
    %dma_start3A_14 = tpu.memref_slice %arg7[%dma_start3A_13] : memref<256xi32, #tpu.memory_space<vmem>> -> memref<16xi32, #tpu.memory_space<vmem>>
    %dma_start3A_15 = arith.constant 0 : i32
    %dma_start3A_16 = arith.constant 0 : i32
    %dma_start3A_17 = tpu.memref_slice %arg3[%dma_start3A_15, %dma_start3A_16] : memref<32768x64xf32, #tpu.memory_space<hbm>> -> memref<32768x64xf32, #tpu.memory_space<hbm>>
    tpu.enqueue_indirect_dma source(%dma_start3A_17 : memref<32768x64xf32, #tpu.memory_space<hbm>>) target(%dma_start3A_12 : memref<16x64xf32, #tpu.memory_space<vmem>>) offsets(%dma_start3A_14 : memref<16xi32, #tpu.memory_space<vmem>>) semaphore(%arg12 : memref<!tpu.dma_semaphore, #tpu.memory_space<semaphore_mem>>)
    %dma_start3A_18 = arith.constant 16 : i32
    %dma_start3A_19 = arith.constant 0 : i32
    %dma_start3A_20 = tpu.memref_slice %arg8[%dma_start3A_18, %dma_start3A_19] : memref<256x64xf32, #tpu.memory_space<vmem>> -> memref<16x64xf32, #tpu.memory_space<vmem>>
    %dma_start3A_21 = arith.constant 16 : i32
    %dma_start3A_22 = tpu.memref_slice %arg7[%dma_start3A_21] : memref<256xi32, #tpu.memory_space<vmem>> -> memref<16xi32, #tpu.memory_space<vmem>>
    %dma_start3A_23 = arith.constant 0 : i32
    %dma_start3A_24 = arith.constant 0 : i32
    %dma_start3A_25 = tpu.memref_slice %arg2[%dma_start3A_23, %dma_start3A_24] : memref<32768x64xf32, #tpu.memory_space<hbm>> -> memref<32768x64xf32, #tpu.memory_space<hbm>>
    tpu.enqueue_indirect_dma source(%dma_start3A_25 : memref<32768x64xf32, #tpu.memory_space<hbm>>) target(%dma_start3A_20 : memref<16x64xf32, #tpu.memory_space<vmem>>) offsets(%dma_start3A_22 : memref<16xi32, #tpu.memory_space<vmem>>) semaphore(%arg11 : memref<!tpu.dma_semaphore, #tpu.memory_space<semaphore_mem>>)
    %dma_start3A_26 = arith.constant 16 : i32
    %dma_start3A_27 = arith.constant 0 : i32
    %dma_start3A_28 = tpu.memref_slice %arg9[%dma_start3A_26, %dma_start3A_27] : memref<256x64xf32, #tpu.memory_space<vmem>> -> memref<16x64xf32, #tpu.memory_space<vmem>>
    %dma_start3A_29 = arith.constant 16 : i32
    %dma_start3A_30 = tpu.memref_slice %arg7[%dma_start3A_29] : memref<256xi32, #tpu.memory_space<vmem>> -> memref<16xi32, #tpu.memory_space<vmem>>
    %dma_start3A_31 = arith.constant 0 : i32
    %dma_start3A_32 = arith.constant 0 : i32
    %dma_start3A_33 = tpu.memref_slice %arg3[%dma_start3A_31, %dma_start3A_32] : memref<32768x64xf32, #tpu.memory_space<hbm>> -> memref<32768x64xf32, #tpu.memory_space<hbm>>
    tpu.enqueue_indirect_dma source(%dma_start3A_33 : memref<32768x64xf32, #tpu.memory_space<hbm>>) target(%dma_start3A_28 : memref<16x64xf32, #tpu.memory_space<vmem>>) offsets(%dma_start3A_30 : memref<16xi32, #tpu.memory_space<vmem>>) semaphore(%arg12 : memref<!tpu.dma_semaphore, #tpu.memory_space<semaphore_mem>>)
    %dma_start3A_34 = arith.constant 32 : i32
    %dma_start3A_35 = arith.constant 0 : i32
    %dma_start3A_36 = tpu.memref_slice %arg8[%dma_start3A_34, %dma_start3A_35] : memref<256x64xf32, #tpu.memory_space<vmem>> -> memref<16x64xf32, #tpu.memory_space<vmem>>
    %dma_start3A_37 = arith.constant 32 : i32
    %dma_start3A_38 = tpu.memref_slice %arg7[%dma_start3A_37] : memref<256xi32, #tpu.memory_space<vmem>> -> memref<16xi32, #tpu.memory_space<vmem>>
    %dma_start3A_39 = arith.constant 0 : i32
    %dma_start3A_40 = arith.constant 0 : i32
    %dma_start3A_41 = tpu.memref_slice %arg2[%dma_start3A_39, %dma_start3A_40] : memref<32768x64xf32, #tpu.memory_space<hbm>> -> memref<32768x64xf32, #tpu.memory_space<hbm>>
    tpu.enqueue_indirect_dma source(%dma_start3A_41 : memref<32768x64xf32, #tpu.memory_space<hbm>>) target(%dma_start3A_36 : memref<16x64xf32, #tpu.memory_space<vmem>>) offsets(%dma_start3A_38 : memref<16xi32, #tpu.memory_space<vmem>>) semaphore(%arg11 : memref<!tpu.dma_semaphore, #tpu.memory_space<semaphore_mem>>)
    %dma_start3A_42 = arith.constant 32 : i32
    %dma_start3A_43 = arith.constant 0 : i32
    %dma_start3A_44 = tpu.memref_slice %arg9[%dma_start3A_42, %dma_start3A_43] : memref<256x64xf32, #tpu.memory_space<vmem>> -> memref<16x64xf32, #tpu.memory_space<vmem>>
    %dma_start3A_45 = arith.constant 32 : i32
    %dma_start3A_46 = tpu.memref_slice %arg7[%dma_start3A_45] : memref<256xi32, #tpu.memory_space<vmem>> -> memref<16xi32, #tpu.memory_space<vmem>>
    %dma_start3A_47 = arith.constant 0 : i32
    %dma_start3A_48 = arith.constant 0 : i32
    %dma_start3A_49 = tpu.memref_slice %arg3[%dma_start3A_47, %dma_start3A_48] : memref<32768x64xf32, #tpu.memory_space<hbm>> -> memref<32768x64xf32, #tpu.memory_space<hbm>>
    tpu.enqueue_indirect_dma source(%dma_start3A_49 : memref<32768x64xf32, #tpu.memory_space<hbm>>) target(%dma_start3A_44 : memref<16x64xf32, #tpu.memory_space<vmem>>) offsets(%dma_start3A_46 : memref<16xi32, #tpu.memory_space<vmem>>) semaphore(%arg12 : memref<!tpu.dma_semaphore, #tpu.memory_space<semaphore_mem>>)
    %dma_start3A_50 = arith.constant 48 : i32
    %dma_start3A_51 = arith.constant 0 : i32
    %dma_start3A_52 = tpu.memref_slice %arg8[%dma_start3A_50, %dma_start3A_51] : memref<256x64xf32, #tpu.memory_space<vmem>> -> memref<16x64xf32, #tpu.memory_space<vmem>>
    %dma_start3A_53 = arith.constant 48 : i32
    %dma_start3A_54 = tpu.memref_slice %arg7[%dma_start3A_53] : memref<256xi32, #tpu.memory_space<vmem>> -> memref<16xi32, #tpu.memory_space<vmem>>
    %dma_start3A_55 = arith.constant 0 : i32
    %dma_start3A_56 = arith.constant 0 : i32
    %dma_start3A_57 = tpu.memref_slice %arg2[%dma_start3A_55, %dma_start3A_56] : memref<32768x64xf32, #tpu.memory_space<hbm>> -> memref<32768x64xf32, #tpu.memory_space<hbm>>
    tpu.enqueue_indirect_dma source(%dma_start3A_57 : memref<32768x64xf32, #tpu.memory_space<hbm>>) target(%dma_start3A_52 : memref<16x64xf32, #tpu.memory_space<vmem>>) offsets(%dma_start3A_54 : memref<16xi32, #tpu.memory_space<vmem>>) semaphore(%arg11 : memref<!tpu.dma_semaphore, #tpu.memory_space<semaphore_mem>>)
    %dma_start3A_58 = arith.constant 48 : i32
    %dma_start3A_59 = arith.constant 0 : i32
    %dma_start3A_60 = tpu.memref_slice %arg9[%dma_start3A_58, %dma_start3A_59] : memref<256x64xf32, #tpu.memory_space<vmem>> -> memref<16x64xf32, #tpu.memory_space<vmem>>
    %dma_start3A_61 = arith.constant 48 : i32
    %dma_start3A_62 = tpu.memref_slice %arg7[%dma_start3A_61] : memref<256xi32, #tpu.memory_space<vmem>> -> memref<16xi32, #tpu.memory_space<vmem>>
    %dma_start3A_63 = arith.constant 0 : i32
    %dma_start3A_64 = arith.constant 0 : i32
    %dma_start3A_65 = tpu.memref_slice %arg3[%dma_start3A_63, %dma_start3A_64] : memref<32768x64xf32, #tpu.memory_space<hbm>> -> memref<32768x64xf32, #tpu.memory_space<hbm>>
    tpu.enqueue_indirect_dma source(%dma_start3A_65 : memref<32768x64xf32, #tpu.memory_space<hbm>>) target(%dma_start3A_60 : memref<16x64xf32, #tpu.memory_space<vmem>>) offsets(%dma_start3A_62 : memref<16xi32, #tpu.memory_space<vmem>>) semaphore(%arg12 : memref<!tpu.dma_semaphore, #tpu.memory_space<semaphore_mem>>)
    %dma_start3A_66 = arith.constant 64 : i32
    %dma_start3A_67 = arith.constant 0 : i32
    %dma_start3A_68 = tpu.memref_slice %arg8[%dma_start3A_66, %dma_start3A_67] : memref<256x64xf32, #tpu.memory_space<vmem>> -> memref<16x64xf32, #tpu.memory_space<vmem>>
    %dma_start3A_69 = arith.constant 64 : i32
    %dma_start3A_70 = tpu.memref_slice %arg7[%dma_start3A_69] : memref<256xi32, #tpu.memory_space<vmem>> -> memref<16xi32, #tpu.memory_space<vmem>>
    %dma_start3A_71 = arith.constant 0 : i32
    %dma_start3A_72 = arith.constant 0 : i32
    %dma_start3A_73 = tpu.memref_slice %arg2[%dma_start3A_71, %dma_start3A_72] : memref<32768x64xf32, #tpu.memory_space<hbm>> -> memref<32768x64xf32, #tpu.memory_space<hbm>>
    tpu.enqueue_indirect_dma source(%dma_start3A_73 : memref<32768x64xf32, #tpu.memory_space<hbm>>) target(%dma_start3A_68 : memref<16x64xf32, #tpu.memory_space<vmem>>) offsets(%dma_start3A_70 : memref<16xi32, #tpu.memory_space<vmem>>) semaphore(%arg11 : memref<!tpu.dma_semaphore, #tpu.memory_space<semaphore_mem>>)
    %dma_start3A_74 = arith.constant 64 : i32
    %dma_start3A_75 = arith.constant 0 : i32
    %dma_start3A_76 = tpu.memref_slice %arg9[%dma_start3A_74, %dma_start3A_75] : memref<256x64xf32, #tpu.memory_space<vmem>> -> memref<16x64xf32, #tpu.memory_space<vmem>>
    %dma_start3A_77 = arith.constant 64 : i32
    %dma_start3A_78 = tpu.memref_slice %arg7[%dma_start3A_77] : memref<256xi32, #tpu.memory_space<vmem>> -> memref<16xi32, #tpu.memory_space<vmem>>
    %dma_start3A_79 = arith.constant 0 : i32
    %dma_start3A_80 = arith.constant 0 : i32
    %dma_start3A_81 = tpu.memref_slice %arg3[%dma_start3A_79, %dma_start3A_80] : memref<32768x64xf32, #tpu.memory_space<hbm>> -> memref<32768x64xf32, #tpu.memory_space<hbm>>
    tpu.enqueue_indirect_dma source(%dma_start3A_81 : memref<32768x64xf32, #tpu.memory_space<hbm>>) target(%dma_start3A_76 : memref<16x64xf32, #tpu.memory_space<vmem>>) offsets(%dma_start3A_78 : memref<16xi32, #tpu.memory_space<vmem>>) semaphore(%arg12 : memref<!tpu.dma_semaphore, #tpu.memory_space<semaphore_mem>>)
    %dma_start3A_82 = arith.constant 80 : i32
    %dma_start3A_83 = arith.constant 0 : i32
    %dma_start3A_84 = tpu.memref_slice %arg8[%dma_start3A_82, %dma_start3A_83] : memref<256x64xf32, #tpu.memory_space<vmem>> -> memref<16x64xf32, #tpu.memory_space<vmem>>
    %dma_start3A_85 = arith.constant 80 : i32
    %dma_start3A_86 = tpu.memref_slice %arg7[%dma_start3A_85] : memref<256xi32, #tpu.memory_space<vmem>> -> memref<16xi32, #tpu.memory_space<vmem>>
    %dma_start3A_87 = arith.constant 0 : i32
    %dma_start3A_88 = arith.constant 0 : i32
    %dma_start3A_89 = tpu.memref_slice %arg2[%dma_start3A_87, %dma_start3A_88] : memref<32768x64xf32, #tpu.memory_space<hbm>> -> memref<32768x64xf32, #tpu.memory_space<hbm>>
    tpu.enqueue_indirect_dma source(%dma_start3A_89 : memref<32768x64xf32, #tpu.memory_space<hbm>>) target(%dma_start3A_84 : memref<16x64xf32, #tpu.memory_space<vmem>>) offsets(%dma_start3A_86 : memref<16xi32, #tpu.memory_space<vmem>>) semaphore(%arg11 : memref<!tpu.dma_semaphore, #tpu.memory_space<semaphore_mem>>)
    %dma_start3A_90 = arith.constant 80 : i32
    %dma_start3A_91 = arith.constant 0 : i32
    %dma_start3A_92 = tpu.memref_slice %arg9[%dma_start3A_90, %dma_start3A_91] : memref<256x64xf32, #tpu.memory_space<vmem>> -> memref<16x64xf32, #tpu.memory_space<vmem>>
    %dma_start3A_93 = arith.constant 80 : i32
    %dma_start3A_94 = tpu.memref_slice %arg7[%dma_start3A_93] : memref<256xi32, #tpu.memory_space<vmem>> -> memref<16xi32, #tpu.memory_space<vmem>>
    %dma_start3A_95 = arith.constant 0 : i32
    %dma_start3A_96 = arith.constant 0 : i32
    %dma_start3A_97 = tpu.memref_slice %arg3[%dma_start3A_95, %dma_start3A_96] : memref<32768x64xf32, #tpu.memory_space<hbm>> -> memref<32768x64xf32, #tpu.memory_space<hbm>>
    tpu.enqueue_indirect_dma source(%dma_start3A_97 : memref<32768x64xf32, #tpu.memory_space<hbm>>) target(%dma_start3A_92 : memref<16x64xf32, #tpu.memory_space<vmem>>) offsets(%dma_start3A_94 : memref<16xi32, #tpu.memory_space<vmem>>) semaphore(%arg12 : memref<!tpu.dma_semaphore, #tpu.memory_space<semaphore_mem>>)
    %dma_start3A_98 = arith.constant 96 : i32
    %dma_start3A_99 = arith.constant 0 : i32
    %dma_start3A_100 = tpu.memref_slice %arg8[%dma_start3A_98, %dma_start3A_99] : memref<256x64xf32, #tpu.memory_space<vmem>> -> memref<16x64xf32, #tpu.memory_space<vmem>>
    %dma_start3A_101 = arith.constant 96 : i32
    %dma_start3A_102 = tpu.memref_slice %arg7[%dma_start3A_101] : memref<256xi32, #tpu.memory_space<vmem>> -> memref<16xi32, #tpu.memory_space<vmem>>
    %dma_start3A_103 = arith.constant 0 : i32
    %dma_start3A_104 = arith.constant 0 : i32
    %dma_start3A_105 = tpu.memref_slice %arg2[%dma_start3A_103, %dma_start3A_104] : memref<32768x64xf32, #tpu.memory_space<hbm>> -> memref<32768x64xf32, #tpu.memory_space<hbm>>
    tpu.enqueue_indirect_dma source(%dma_start3A_105 : memref<32768x64xf32, #tpu.memory_space<hbm>>) target(%dma_start3A_100 : memref<16x64xf32, #tpu.memory_space<vmem>>) offsets(%dma_start3A_102 : memref<16xi32, #tpu.memory_space<vmem>>) semaphore(%arg11 : memref<!tpu.dma_semaphore, #tpu.memory_space<semaphore_mem>>)
    %dma_start3A_106 = arith.constant 96 : i32
    %dma_start3A_107 = arith.constant 0 : i32
    %dma_start3A_108 = tpu.memref_slice %arg9[%dma_start3A_106, %dma_start3A_107] : memref<256x64xf32, #tpu.memory_space<vmem>> -> memref<16x64xf32, #tpu.memory_space<vmem>>
    %dma_start3A_109 = arith.constant 96 : i32
    %dma_start3A_110 = tpu.memref_slice %arg7[%dma_start3A_109] : memref<256xi32, #tpu.memory_space<vmem>> -> memref<16xi32, #tpu.memory_space<vmem>>
    %dma_start3A_111 = arith.constant 0 : i32
    %dma_start3A_112 = arith.constant 0 : i32
    %dma_start3A_113 = tpu.memref_slice %arg3[%dma_start3A_111, %dma_start3A_112] : memref<32768x64xf32, #tpu.memory_space<hbm>> -> memref<32768x64xf32, #tpu.memory_space<hbm>>
    tpu.enqueue_indirect_dma source(%dma_start3A_113 : memref<32768x64xf32, #tpu.memory_space<hbm>>) target(%dma_start3A_108 : memref<16x64xf32, #tpu.memory_space<vmem>>) offsets(%dma_start3A_110 : memref<16xi32, #tpu.memory_space<vmem>>) semaphore(%arg12 : memref<!tpu.dma_semaphore, #tpu.memory_space<semaphore_mem>>)
    %dma_start3A_114 = arith.constant 112 : i32
    %dma_start3A_115 = arith.constant 0 : i32
    %dma_start3A_116 = tpu.memref_slice %arg8[%dma_start3A_114, %dma_start3A_115] : memref<256x64xf32, #tpu.memory_space<vmem>> -> memref<16x64xf32, #tpu.memory_space<vmem>>
    %dma_start3A_117 = arith.constant 112 : i32
    %dma_start3A_118 = tpu.memref_slice %arg7[%dma_start3A_117] : memref<256xi32, #tpu.memory_space<vmem>> -> memref<16xi32, #tpu.memory_space<vmem>>
    %dma_start3A_119 = arith.constant 0 : i32
    %dma_start3A_120 = arith.constant 0 : i32
    %dma_start3A_121 = tpu.memref_slice %arg2[%dma_start3A_119, %dma_start3A_120] : memref<32768x64xf32, #tpu.memory_space<hbm>> -> memref<32768x64xf32, #tpu.memory_space<hbm>>
    tpu.enqueue_indirect_dma source(%dma_start3A_121 : memref<32768x64xf32, #tpu.memory_space<hbm>>) target(%dma_start3A_116 : memref<16x64xf32, #tpu.memory_space<vmem>>) offsets(%dma_start3A_118 : memref<16xi32, #tpu.memory_space<vmem>>) semaphore(%arg11 : memref<!tpu.dma_semaphore, #tpu.memory_space<semaphore_mem>>)
    %dma_start3A_122 = arith.constant 112 : i32
    %dma_start3A_123 = arith.constant 0 : i32
    %dma_start3A_124 = tpu.memref_slice %arg9[%dma_start3A_122, %dma_start3A_123] : memref<256x64xf32, #tpu.memory_space<vmem>> -> memref<16x64xf32, #tpu.memory_space<vmem>>
    %dma_start3A_125 = arith.constant 112 : i32
    %dma_start3A_126 = tpu.memref_slice %arg7[%dma_start3A_125] : memref<256xi32, #tpu.memory_space<vmem>> -> memref<16xi32, #tpu.memory_space<vmem>>
    %dma_start3A_127 = arith.constant 0 : i32
    %dma_start3A_128 = arith.constant 0 : i32
    %dma_start3A_129 = tpu.memref_slice %arg3[%dma_start3A_127, %dma_start3A_128] : memref<32768x64xf32, #tpu.memory_space<hbm>> -> memref<32768x64xf32, #tpu.memory_space<hbm>>
    tpu.enqueue_indirect_dma source(%dma_start3A_129 : memref<32768x64xf32, #tpu.memory_space<hbm>>) target(%dma_start3A_124 : memref<16x64xf32, #tpu.memory_space<vmem>>) offsets(%dma_start3A_126 : memref<16xi32, #tpu.memory_space<vmem>>) semaphore(%arg12 : memref<!tpu.dma_semaphore, #tpu.memory_space<semaphore_mem>>)
    %dma_start3A_130 = arith.constant 128 : i32
    %dma_start3A_131 = arith.constant 0 : i32
    %dma_start3A_132 = tpu.memref_slice %arg8[%dma_start3A_130, %dma_start3A_131] : memref<256x64xf32, #tpu.memory_space<vmem>> -> memref<16x64xf32, #tpu.memory_space<vmem>>
    %dma_start3A_133 = arith.constant 128 : i32
    %dma_start3A_134 = tpu.memref_slice %arg7[%dma_start3A_133] : memref<256xi32, #tpu.memory_space<vmem>> -> memref<16xi32, #tpu.memory_space<vmem>>
    %dma_start3A_135 = arith.constant 0 : i32
    %dma_start3A_136 = arith.constant 0 : i32
    %dma_start3A_137 = tpu.memref_slice %arg2[%dma_start3A_135, %dma_start3A_136] : memref<32768x64xf32, #tpu.memory_space<hbm>> -> memref<32768x64xf32, #tpu.memory_space<hbm>>
    tpu.enqueue_indirect_dma source(%dma_start3A_137 : memref<32768x64xf32, #tpu.memory_space<hbm>>) target(%dma_start3A_132 : memref<16x64xf32, #tpu.memory_space<vmem>>) offsets(%dma_start3A_134 : memref<16xi32, #tpu.memory_space<vmem>>) semaphore(%arg11 : memref<!tpu.dma_semaphore, #tpu.memory_space<semaphore_mem>>)
    %dma_start3A_138 = arith.constant 128 : i32
    %dma_start3A_139 = arith.constant 0 : i32
    %dma_start3A_140 = tpu.memref_slice %arg9[%dma_start3A_138, %dma_start3A_139] : memref<256x64xf32, #tpu.memory_space<vmem>> -> memref<16x64xf32, #tpu.memory_space<vmem>>
    %dma_start3A_141 = arith.constant 128 : i32
    %dma_start3A_142 = tpu.memref_slice %arg7[%dma_start3A_141] : memref<256xi32, #tpu.memory_space<vmem>> -> memref<16xi32, #tpu.memory_space<vmem>>
    %dma_start3A_143 = arith.constant 0 : i32
    %dma_start3A_144 = arith.constant 0 : i32
    %dma_start3A_145 = tpu.memref_slice %arg3[%dma_start3A_143, %dma_start3A_144] : memref<32768x64xf32, #tpu.memory_space<hbm>> -> memref<32768x64xf32, #tpu.memory_space<hbm>>
    tpu.enqueue_indirect_dma source(%dma_start3A_145 : memref<32768x64xf32, #tpu.memory_space<hbm>>) target(%dma_start3A_140 : memref<16x64xf32, #tpu.memory_space<vmem>>) offsets(%dma_start3A_142 : memref<16xi32, #tpu.memory_space<vmem>>) semaphore(%arg12 : memref<!tpu.dma_semaphore, #tpu.memory_space<semaphore_mem>>)
    %dma_start3A_146 = arith.constant 144 : i32
    %dma_start3A_147 = arith.constant 0 : i32
    %dma_start3A_148 = tpu.memref_slice %arg8[%dma_start3A_146, %dma_start3A_147] : memref<256x64xf32, #tpu.memory_space<vmem>> -> memref<16x64xf32, #tpu.memory_space<vmem>>
    %dma_start3A_149 = arith.constant 144 : i32
    %dma_start3A_150 = tpu.memref_slice %arg7[%dma_start3A_149] : memref<256xi32, #tpu.memory_space<vmem>> -> memref<16xi32, #tpu.memory_space<vmem>>
    %dma_start3A_151 = arith.constant 0 : i32
    %dma_start3A_152 = arith.constant 0 : i32
    %dma_start3A_153 = tpu.memref_slice %arg2[%dma_start3A_151, %dma_start3A_152] : memref<32768x64xf32, #tpu.memory_space<hbm>> -> memref<32768x64xf32, #tpu.memory_space<hbm>>
    tpu.enqueue_indirect_dma source(%dma_start3A_153 : memref<32768x64xf32, #tpu.memory_space<hbm>>) target(%dma_start3A_148 : memref<16x64xf32, #tpu.memory_space<vmem>>) offsets(%dma_start3A_150 : memref<16xi32, #tpu.memory_space<vmem>>) semaphore(%arg11 : memref<!tpu.dma_semaphore, #tpu.memory_space<semaphore_mem>>)
    %dma_start3A_154 = arith.constant 144 : i32
    %dma_start3A_155 = arith.constant 0 : i32
    %dma_start3A_156 = tpu.memref_slice %arg9[%dma_start3A_154, %dma_start3A_155] : memref<256x64xf32, #tpu.memory_space<vmem>> -> memref<16x64xf32, #tpu.memory_space<vmem>>
    %dma_start3A_157 = arith.constant 144 : i32
    %dma_start3A_158 = tpu.memref_slice %arg7[%dma_start3A_157] : memref<256xi32, #tpu.memory_space<vmem>> -> memref<16xi32, #tpu.memory_space<vmem>>
    %dma_start3A_159 = arith.constant 0 : i32
    %dma_start3A_160 = arith.constant 0 : i32
    %dma_start3A_161 = tpu.memref_slice %arg3[%dma_start3A_159, %dma_start3A_160] : memref<32768x64xf32, #tpu.memory_space<hbm>> -> memref<32768x64xf32, #tpu.memory_space<hbm>>
    tpu.enqueue_indirect_dma source(%dma_start3A_161 : memref<32768x64xf32, #tpu.memory_space<hbm>>) target(%dma_start3A_156 : memref<16x64xf32, #tpu.memory_space<vmem>>) offsets(%dma_start3A_158 : memref<16xi32, #tpu.memory_space<vmem>>) semaphore(%arg12 : memref<!tpu.dma_semaphore, #tpu.memory_space<semaphore_mem>>)
    %dma_start3A_162 = arith.constant 160 : i32
    %dma_start3A_163 = arith.constant 0 : i32
    %dma_start3A_164 = tpu.memref_slice %arg8[%dma_start3A_162, %dma_start3A_163] : memref<256x64xf32, #tpu.memory_space<vmem>> -> memref<16x64xf32, #tpu.memory_space<vmem>>
    %dma_start3A_165 = arith.constant 160 : i32
    %dma_start3A_166 = tpu.memref_slice %arg7[%dma_start3A_165] : memref<256xi32, #tpu.memory_space<vmem>> -> memref<16xi32, #tpu.memory_space<vmem>>
    %dma_start3A_167 = arith.constant 0 : i32
    %dma_start3A_168 = arith.constant 0 : i32
    %dma_start3A_169 = tpu.memref_slice %arg2[%dma_start3A_167, %dma_start3A_168] : memref<32768x64xf32, #tpu.memory_space<hbm>> -> memref<32768x64xf32, #tpu.memory_space<hbm>>
    tpu.enqueue_indirect_dma source(%dma_start3A_169 : memref<32768x64xf32, #tpu.memory_space<hbm>>) target(%dma_start3A_164 : memref<16x64xf32, #tpu.memory_space<vmem>>) offsets(%dma_start3A_166 : memref<16xi32, #tpu.memory_space<vmem>>) semaphore(%arg11 : memref<!tpu.dma_semaphore, #tpu.memory_space<semaphore_mem>>)
    %dma_start3A_170 = arith.constant 160 : i32
    %dma_start3A_171 = arith.constant 0 : i32
    %dma_start3A_172 = tpu.memref_slice %arg9[%dma_start3A_170, %dma_start3A_171] : memref<256x64xf32, #tpu.memory_space<vmem>> -> memref<16x64xf32, #tpu.memory_space<vmem>>
    %dma_start3A_173 = arith.constant 160 : i32
    %dma_start3A_174 = tpu.memref_slice %arg7[%dma_start3A_173] : memref<256xi32, #tpu.memory_space<vmem>> -> memref<16xi32, #tpu.memory_space<vmem>>
    %dma_start3A_175 = arith.constant 0 : i32
    %dma_start3A_176 = arith.constant 0 : i32
    %dma_start3A_177 = tpu.memref_slice %arg3[%dma_start3A_175, %dma_start3A_176] : memref<32768x64xf32, #tpu.memory_space<hbm>> -> memref<32768x64xf32, #tpu.memory_space<hbm>>
    tpu.enqueue_indirect_dma source(%dma_start3A_177 : memref<32768x64xf32, #tpu.memory_space<hbm>>) target(%dma_start3A_172 : memref<16x64xf32, #tpu.memory_space<vmem>>) offsets(%dma_start3A_174 : memref<16xi32, #tpu.memory_space<vmem>>) semaphore(%arg12 : memref<!tpu.dma_semaphore, #tpu.memory_space<semaphore_mem>>)
    %dma_start3A_178 = arith.constant 176 : i32
    %dma_start3A_179 = arith.constant 0 : i32
    %dma_start3A_180 = tpu.memref_slice %arg8[%dma_start3A_178, %dma_start3A_179] : memref<256x64xf32, #tpu.memory_space<vmem>> -> memref<16x64xf32, #tpu.memory_space<vmem>>
    %dma_start3A_181 = arith.constant 176 : i32
    %dma_start3A_182 = tpu.memref_slice %arg7[%dma_start3A_181] : memref<256xi32, #tpu.memory_space<vmem>> -> memref<16xi32, #tpu.memory_space<vmem>>
    %dma_start3A_183 = arith.constant 0 : i32
    %dma_start3A_184 = arith.constant 0 : i32
    %dma_start3A_185 = tpu.memref_slice %arg2[%dma_start3A_183, %dma_start3A_184] : memref<32768x64xf32, #tpu.memory_space<hbm>> -> memref<32768x64xf32, #tpu.memory_space<hbm>>
    tpu.enqueue_indirect_dma source(%dma_start3A_185 : memref<32768x64xf32, #tpu.memory_space<hbm>>) target(%dma_start3A_180 : memref<16x64xf32, #tpu.memory_space<vmem>>) offsets(%dma_start3A_182 : memref<16xi32, #tpu.memory_space<vmem>>) semaphore(%arg11 : memref<!tpu.dma_semaphore, #tpu.memory_space<semaphore_mem>>)
    %dma_start3A_186 = arith.constant 176 : i32
    %dma_start3A_187 = arith.constant 0 : i32
    %dma_start3A_188 = tpu.memref_slice %arg9[%dma_start3A_186, %dma_start3A_187] : memref<256x64xf32, #tpu.memory_space<vmem>> -> memref<16x64xf32, #tpu.memory_space<vmem>>
    %dma_start3A_189 = arith.constant 176 : i32
    %dma_start3A_190 = tpu.memref_slice %arg7[%dma_start3A_189] : memref<256xi32, #tpu.memory_space<vmem>> -> memref<16xi32, #tpu.memory_space<vmem>>
    %dma_start3A_191 = arith.constant 0 : i32
    %dma_start3A_192 = arith.constant 0 : i32
    %dma_start3A_193 = tpu.memref_slice %arg3[%dma_start3A_191, %dma_start3A_192] : memref<32768x64xf32, #tpu.memory_space<hbm>> -> memref<32768x64xf32, #tpu.memory_space<hbm>>
    tpu.enqueue_indirect_dma source(%dma_start3A_193 : memref<32768x64xf32, #tpu.memory_space<hbm>>) target(%dma_start3A_188 : memref<16x64xf32, #tpu.memory_space<vmem>>) offsets(%dma_start3A_190 : memref<16xi32, #tpu.memory_space<vmem>>) semaphore(%arg12 : memref<!tpu.dma_semaphore, #tpu.memory_space<semaphore_mem>>)
    %dma_start3A_194 = arith.constant 192 : i32
    %dma_start3A_195 = arith.constant 0 : i32
    %dma_start3A_196 = tpu.memref_slice %arg8[%dma_start3A_194, %dma_start3A_195] : memref<256x64xf32, #tpu.memory_space<vmem>> -> memref<16x64xf32, #tpu.memory_space<vmem>>
    %dma_start3A_197 = arith.constant 192 : i32
    %dma_start3A_198 = tpu.memref_slice %arg7[%dma_start3A_197] : memref<256xi32, #tpu.memory_space<vmem>> -> memref<16xi32, #tpu.memory_space<vmem>>
    %dma_start3A_199 = arith.constant 0 : i32
    %dma_start3A_200 = arith.constant 0 : i32
    %dma_start3A_201 = tpu.memref_slice %arg2[%dma_start3A_199, %dma_start3A_200] : memref<32768x64xf32, #tpu.memory_space<hbm>> -> memref<32768x64xf32, #tpu.memory_space<hbm>>
    tpu.enqueue_indirect_dma source(%dma_start3A_201 : memref<32768x64xf32, #tpu.memory_space<hbm>>) target(%dma_start3A_196 : memref<16x64xf32, #tpu.memory_space<vmem>>) offsets(%dma_start3A_198 : memref<16xi32, #tpu.memory_space<vmem>>) semaphore(%arg11 : memref<!tpu.dma_semaphore, #tpu.memory_space<semaphore_mem>>)
    %dma_start3A_202 = arith.constant 192 : i32
    %dma_start3A_203 = arith.constant 0 : i32
    %dma_start3A_204 = tpu.memref_slice %arg9[%dma_start3A_202, %dma_start3A_203] : memref<256x64xf32, #tpu.memory_space<vmem>> -> memref<16x64xf32, #tpu.memory_space<vmem>>
    %dma_start3A_205 = arith.constant 192 : i32
    %dma_start3A_206 = tpu.memref_slice %arg7[%dma_start3A_205] : memref<256xi32, #tpu.memory_space<vmem>> -> memref<16xi32, #tpu.memory_space<vmem>>
    %dma_start3A_207 = arith.constant 0 : i32
    %dma_start3A_208 = arith.constant 0 : i32
    %dma_start3A_209 = tpu.memref_slice %arg3[%dma_start3A_207, %dma_start3A_208] : memref<32768x64xf32, #tpu.memory_space<hbm>> -> memref<32768x64xf32, #tpu.memory_space<hbm>>
    tpu.enqueue_indirect_dma source(%dma_start3A_209 : memref<32768x64xf32, #tpu.memory_space<hbm>>) target(%dma_start3A_204 : memref<16x64xf32, #tpu.memory_space<vmem>>) offsets(%dma_start3A_206 : memref<16xi32, #tpu.memory_space<vmem>>) semaphore(%arg12 : memref<!tpu.dma_semaphore, #tpu.memory_space<semaphore_mem>>)
    %dma_start3A_210 = arith.constant 208 : i32
    %dma_start3A_211 = arith.constant 0 : i32
    %dma_start3A_212 = tpu.memref_slice %arg8[%dma_start3A_210, %dma_start3A_211] : memref<256x64xf32, #tpu.memory_space<vmem>> -> memref<16x64xf32, #tpu.memory_space<vmem>>
    %dma_start3A_213 = arith.constant 208 : i32
    %dma_start3A_214 = tpu.memref_slice %arg7[%dma_start3A_213] : memref<256xi32, #tpu.memory_space<vmem>> -> memref<16xi32, #tpu.memory_space<vmem>>
    %dma_start3A_215 = arith.constant 0 : i32
    %dma_start3A_216 = arith.constant 0 : i32
    %dma_start3A_217 = tpu.memref_slice %arg2[%dma_start3A_215, %dma_start3A_216] : memref<32768x64xf32, #tpu.memory_space<hbm>> -> memref<32768x64xf32, #tpu.memory_space<hbm>>
    tpu.enqueue_indirect_dma source(%dma_start3A_217 : memref<32768x64xf32, #tpu.memory_space<hbm>>) target(%dma_start3A_212 : memref<16x64xf32, #tpu.memory_space<vmem>>) offsets(%dma_start3A_214 : memref<16xi32, #tpu.memory_space<vmem>>) semaphore(%arg11 : memref<!tpu.dma_semaphore, #tpu.memory_space<semaphore_mem>>)
    %dma_start3A_218 = arith.constant 208 : i32
    %dma_start3A_219 = arith.constant 0 : i32
    %dma_start3A_220 = tpu.memref_slice %arg9[%dma_start3A_218, %dma_start3A_219] : memref<256x64xf32, #tpu.memory_space<vmem>> -> memref<16x64xf32, #tpu.memory_space<vmem>>
    %dma_start3A_221 = arith.constant 208 : i32
    %dma_start3A_222 = tpu.memref_slice %arg7[%dma_start3A_221] : memref<256xi32, #tpu.memory_space<vmem>> -> memref<16xi32, #tpu.memory_space<vmem>>
    %dma_start3A_223 = arith.constant 0 : i32
    %dma_start3A_224 = arith.constant 0 : i32
    %dma_start3A_225 = tpu.memref_slice %arg3[%dma_start3A_223, %dma_start3A_224] : memref<32768x64xf32, #tpu.memory_space<hbm>> -> memref<32768x64xf32, #tpu.memory_space<hbm>>
    tpu.enqueue_indirect_dma source(%dma_start3A_225 : memref<32768x64xf32, #tpu.memory_space<hbm>>) target(%dma_start3A_220 : memref<16x64xf32, #tpu.memory_space<vmem>>) offsets(%dma_start3A_222 : memref<16xi32, #tpu.memory_space<vmem>>) semaphore(%arg12 : memref<!tpu.dma_semaphore, #tpu.memory_space<semaphore_mem>>)
    %dma_start3A_226 = arith.constant 224 : i32
    %dma_start3A_227 = arith.constant 0 : i32
    %dma_start3A_228 = tpu.memref_slice %arg8[%dma_start3A_226, %dma_start3A_227] : memref<256x64xf32, #tpu.memory_space<vmem>> -> memref<16x64xf32, #tpu.memory_space<vmem>>
    %dma_start3A_229 = arith.constant 224 : i32
    %dma_start3A_230 = tpu.memref_slice %arg7[%dma_start3A_229] : memref<256xi32, #tpu.memory_space<vmem>> -> memref<16xi32, #tpu.memory_space<vmem>>
    %dma_start3A_231 = arith.constant 0 : i32
    %dma_start3A_232 = arith.constant 0 : i32
    %dma_start3A_233 = tpu.memref_slice %arg2[%dma_start3A_231, %dma_start3A_232] : memref<32768x64xf32, #tpu.memory_space<hbm>> -> memref<32768x64xf32, #tpu.memory_space<hbm>>
    tpu.enqueue_indirect_dma source(%dma_start3A_233 : memref<32768x64xf32, #tpu.memory_space<hbm>>) target(%dma_start3A_228 : memref<16x64xf32, #tpu.memory_space<vmem>>) offsets(%dma_start3A_230 : memref<16xi32, #tpu.memory_space<vmem>>) semaphore(%arg11 : memref<!tpu.dma_semaphore, #tpu.memory_space<semaphore_mem>>)
    %dma_start3A_234 = arith.constant 224 : i32
    %dma_start3A_235 = arith.constant 0 : i32
    %dma_start3A_236 = tpu.memref_slice %arg9[%dma_start3A_234, %dma_start3A_235] : memref<256x64xf32, #tpu.memory_space<vmem>> -> memref<16x64xf32, #tpu.memory_space<vmem>>
    %dma_start3A_237 = arith.constant 224 : i32
    %dma_start3A_238 = tpu.memref_slice %arg7[%dma_start3A_237] : memref<256xi32, #tpu.memory_space<vmem>> -> memref<16xi32, #tpu.memory_space<vmem>>
    %dma_start3A_239 = arith.constant 0 : i32
    %dma_start3A_240 = arith.constant 0 : i32
    %dma_start3A_241 = tpu.memref_slice %arg3[%dma_start3A_239, %dma_start3A_240] : memref<32768x64xf32, #tpu.memory_space<hbm>> -> memref<32768x64xf32, #tpu.memory_space<hbm>>
    tpu.enqueue_indirect_dma source(%dma_start3A_241 : memref<32768x64xf32, #tpu.memory_space<hbm>>) target(%dma_start3A_236 : memref<16x64xf32, #tpu.memory_space<vmem>>) offsets(%dma_start3A_238 : memref<16xi32, #tpu.memory_space<vmem>>) semaphore(%arg12 : memref<!tpu.dma_semaphore, #tpu.memory_space<semaphore_mem>>)
    %dma_start3A_242 = arith.constant 240 : i32
    %dma_start3A_243 = arith.constant 0 : i32
    %dma_start3A_244 = tpu.memref_slice %arg8[%dma_start3A_242, %dma_start3A_243] : memref<256x64xf32, #tpu.memory_space<vmem>> -> memref<16x64xf32, #tpu.memory_space<vmem>>
    %dma_start3A_245 = arith.constant 240 : i32
    %dma_start3A_246 = tpu.memref_slice %arg7[%dma_start3A_245] : memref<256xi32, #tpu.memory_space<vmem>> -> memref<16xi32, #tpu.memory_space<vmem>>
    %dma_start3A_247 = arith.constant 0 : i32
    %dma_start3A_248 = arith.constant 0 : i32
    %dma_start3A_249 = tpu.memref_slice %arg2[%dma_start3A_247, %dma_start3A_248] : memref<32768x64xf32, #tpu.memory_space<hbm>> -> memref<32768x64xf32, #tpu.memory_space<hbm>>
    tpu.enqueue_indirect_dma source(%dma_start3A_249 : memref<32768x64xf32, #tpu.memory_space<hbm>>) target(%dma_start3A_244 : memref<16x64xf32, #tpu.memory_space<vmem>>) offsets(%dma_start3A_246 : memref<16xi32, #tpu.memory_space<vmem>>) semaphore(%arg11 : memref<!tpu.dma_semaphore, #tpu.memory_space<semaphore_mem>>)
    %dma_start3A_250 = arith.constant 240 : i32
    %dma_start3A_251 = arith.constant 0 : i32
    %dma_start3A_252 = tpu.memref_slice %arg9[%dma_start3A_250, %dma_start3A_251] : memref<256x64xf32, #tpu.memory_space<vmem>> -> memref<16x64xf32, #tpu.memory_space<vmem>>
    %dma_start3A_253 = arith.constant 240 : i32
    %dma_start3A_254 = tpu.memref_slice %arg7[%dma_start3A_253] : memref<256xi32, #tpu.memory_space<vmem>> -> memref<16xi32, #tpu.memory_space<vmem>>
    %dma_start3A_255 = arith.constant 0 : i32
    %dma_start3A_256 = arith.constant 0 : i32
    %dma_start3A_257 = tpu.memref_slice %arg3[%dma_start3A_255, %dma_start3A_256] : memref<32768x64xf32, #tpu.memory_space<hbm>> -> memref<32768x64xf32, #tpu.memory_space<hbm>>
    tpu.enqueue_indirect_dma source(%dma_start3A_257 : memref<32768x64xf32, #tpu.memory_space<hbm>>) target(%dma_start3A_252 : memref<16x64xf32, #tpu.memory_space<vmem>>) offsets(%dma_start3A_254 : memref<16xi32, #tpu.memory_space<vmem>>) semaphore(%arg12 : memref<!tpu.dma_semaphore, #tpu.memory_space<semaphore_mem>>)
    %dma_wait3A = arith.constant 0 : i32
    %dma_wait3A_258 = arith.constant 0 : i32
    %dma_wait3A_259 = tpu.memref_slice %arg8[%dma_wait3A, %dma_wait3A_258] : memref<256x64xf32, #tpu.memory_space<vmem>> -> memref<16x64xf32, #tpu.memory_space<vmem>>
    %dma_wait3A_260 = arith.constant 0 : i32
    %dma_wait3A_261 = tpu.memref_slice %arg7[%dma_wait3A_260] : memref<256xi32, #tpu.memory_space<vmem>> -> memref<16xi32, #tpu.memory_space<vmem>>
    %dma_wait3A_262 = arith.constant 0 : i32
    %dma_wait3A_263 = arith.constant 0 : i32
    %dma_wait3A_264 = tpu.memref_slice %arg2[%dma_wait3A_262, %dma_wait3A_263] : memref<32768x64xf32, #tpu.memory_space<hbm>> -> memref<32768x64xf32, #tpu.memory_space<hbm>>
    tpu.wait_indirect_dma semaphore(%arg11 : memref<!tpu.dma_semaphore, #tpu.memory_space<semaphore_mem>>) src(%dma_wait3A_264 : memref<32768x64xf32, #tpu.memory_space<hbm>>) dst(%dma_wait3A_259 : memref<16x64xf32, #tpu.memory_space<vmem>>)
    %dma_wait3A_265 = arith.constant 0 : i32
    %dma_wait3A_266 = arith.constant 0 : i32
    %dma_wait3A_267 = tpu.memref_slice %arg9[%dma_wait3A_265, %dma_wait3A_266] : memref<256x64xf32, #tpu.memory_space<vmem>> -> memref<16x64xf32, #tpu.memory_space<vmem>>
    %dma_wait3A_268 = arith.constant 0 : i32
    %dma_wait3A_269 = tpu.memref_slice %arg7[%dma_wait3A_268] : memref<256xi32, #tpu.memory_space<vmem>> -> memref<16xi32, #tpu.memory_space<vmem>>
    %dma_wait3A_270 = arith.constant 0 : i32
    %dma_wait3A_271 = arith.constant 0 : i32
    %dma_wait3A_272 = tpu.memref_slice %arg3[%dma_wait3A_270, %dma_wait3A_271] : memref<32768x64xf32, #tpu.memory_space<hbm>> -> memref<32768x64xf32, #tpu.memory_space<hbm>>
    tpu.wait_indirect_dma semaphore(%arg12 : memref<!tpu.dma_semaphore, #tpu.memory_space<semaphore_mem>>) src(%dma_wait3A_272 : memref<32768x64xf32, #tpu.memory_space<hbm>>) dst(%dma_wait3A_267 : memref<16x64xf32, #tpu.memory_space<vmem>>)
    %dma_wait3A_273 = arith.constant 16 : i32
    %dma_wait3A_274 = arith.constant 0 : i32
    %dma_wait3A_275 = tpu.memref_slice %arg8[%dma_wait3A_273, %dma_wait3A_274] : memref<256x64xf32, #tpu.memory_space<vmem>> -> memref<16x64xf32, #tpu.memory_space<vmem>>
    %dma_wait3A_276 = arith.constant 16 : i32
    %dma_wait3A_277 = tpu.memref_slice %arg7[%dma_wait3A_276] : memref<256xi32, #tpu.memory_space<vmem>> -> memref<16xi32, #tpu.memory_space<vmem>>
    %dma_wait3A_278 = arith.constant 0 : i32
    %dma_wait3A_279 = arith.constant 0 : i32
    %dma_wait3A_280 = tpu.memref_slice %arg2[%dma_wait3A_278, %dma_wait3A_279] : memref<32768x64xf32, #tpu.memory_space<hbm>> -> memref<32768x64xf32, #tpu.memory_space<hbm>>
    tpu.wait_indirect_dma semaphore(%arg11 : memref<!tpu.dma_semaphore, #tpu.memory_space<semaphore_mem>>) src(%dma_wait3A_280 : memref<32768x64xf32, #tpu.memory_space<hbm>>) dst(%dma_wait3A_275 : memref<16x64xf32, #tpu.memory_space<vmem>>)
    %dma_wait3A_281 = arith.constant 16 : i32
    %dma_wait3A_282 = arith.constant 0 : i32
    %dma_wait3A_283 = tpu.memref_slice %arg9[%dma_wait3A_281, %dma_wait3A_282] : memref<256x64xf32, #tpu.memory_space<vmem>> -> memref<16x64xf32, #tpu.memory_space<vmem>>
    %dma_wait3A_284 = arith.constant 16 : i32
    %dma_wait3A_285 = tpu.memref_slice %arg7[%dma_wait3A_284] : memref<256xi32, #tpu.memory_space<vmem>> -> memref<16xi32, #tpu.memory_space<vmem>>
    %dma_wait3A_286 = arith.constant 0 : i32
    %dma_wait3A_287 = arith.constant 0 : i32
    %dma_wait3A_288 = tpu.memref_slice %arg3[%dma_wait3A_286, %dma_wait3A_287] : memref<32768x64xf32, #tpu.memory_space<hbm>> -> memref<32768x64xf32, #tpu.memory_space<hbm>>
    tpu.wait_indirect_dma semaphore(%arg12 : memref<!tpu.dma_semaphore, #tpu.memory_space<semaphore_mem>>) src(%dma_wait3A_288 : memref<32768x64xf32, #tpu.memory_space<hbm>>) dst(%dma_wait3A_283 : memref<16x64xf32, #tpu.memory_space<vmem>>)
    %dma_wait3A_289 = arith.constant 32 : i32
    %dma_wait3A_290 = arith.constant 0 : i32
    %dma_wait3A_291 = tpu.memref_slice %arg8[%dma_wait3A_289, %dma_wait3A_290] : memref<256x64xf32, #tpu.memory_space<vmem>> -> memref<16x64xf32, #tpu.memory_space<vmem>>
    %dma_wait3A_292 = arith.constant 32 : i32
    %dma_wait3A_293 = tpu.memref_slice %arg7[%dma_wait3A_292] : memref<256xi32, #tpu.memory_space<vmem>> -> memref<16xi32, #tpu.memory_space<vmem>>
    %dma_wait3A_294 = arith.constant 0 : i32
    %dma_wait3A_295 = arith.constant 0 : i32
    %dma_wait3A_296 = tpu.memref_slice %arg2[%dma_wait3A_294, %dma_wait3A_295] : memref<32768x64xf32, #tpu.memory_space<hbm>> -> memref<32768x64xf32, #tpu.memory_space<hbm>>
    tpu.wait_indirect_dma semaphore(%arg11 : memref<!tpu.dma_semaphore, #tpu.memory_space<semaphore_mem>>) src(%dma_wait3A_296 : memref<32768x64xf32, #tpu.memory_space<hbm>>) dst(%dma_wait3A_291 : memref<16x64xf32, #tpu.memory_space<vmem>>)
    %dma_wait3A_297 = arith.constant 32 : i32
    %dma_wait3A_298 = arith.constant 0 : i32
    %dma_wait3A_299 = tpu.memref_slice %arg9[%dma_wait3A_297, %dma_wait3A_298] : memref<256x64xf32, #tpu.memory_space<vmem>> -> memref<16x64xf32, #tpu.memory_space<vmem>>
    %dma_wait3A_300 = arith.constant 32 : i32
    %dma_wait3A_301 = tpu.memref_slice %arg7[%dma_wait3A_300] : memref<256xi32, #tpu.memory_space<vmem>> -> memref<16xi32, #tpu.memory_space<vmem>>
    %dma_wait3A_302 = arith.constant 0 : i32
    %dma_wait3A_303 = arith.constant 0 : i32
    %dma_wait3A_304 = tpu.memref_slice %arg3[%dma_wait3A_302, %dma_wait3A_303] : memref<32768x64xf32, #tpu.memory_space<hbm>> -> memref<32768x64xf32, #tpu.memory_space<hbm>>
    tpu.wait_indirect_dma semaphore(%arg12 : memref<!tpu.dma_semaphore, #tpu.memory_space<semaphore_mem>>) src(%dma_wait3A_304 : memref<32768x64xf32, #tpu.memory_space<hbm>>) dst(%dma_wait3A_299 : memref<16x64xf32, #tpu.memory_space<vmem>>)
    %dma_wait3A_305 = arith.constant 48 : i32
    %dma_wait3A_306 = arith.constant 0 : i32
    %dma_wait3A_307 = tpu.memref_slice %arg8[%dma_wait3A_305, %dma_wait3A_306] : memref<256x64xf32, #tpu.memory_space<vmem>> -> memref<16x64xf32, #tpu.memory_space<vmem>>
    %dma_wait3A_308 = arith.constant 48 : i32
    %dma_wait3A_309 = tpu.memref_slice %arg7[%dma_wait3A_308] : memref<256xi32, #tpu.memory_space<vmem>> -> memref<16xi32, #tpu.memory_space<vmem>>
    %dma_wait3A_310 = arith.constant 0 : i32
    %dma_wait3A_311 = arith.constant 0 : i32
    %dma_wait3A_312 = tpu.memref_slice %arg2[%dma_wait3A_310, %dma_wait3A_311] : memref<32768x64xf32, #tpu.memory_space<hbm>> -> memref<32768x64xf32, #tpu.memory_space<hbm>>
    tpu.wait_indirect_dma semaphore(%arg11 : memref<!tpu.dma_semaphore, #tpu.memory_space<semaphore_mem>>) src(%dma_wait3A_312 : memref<32768x64xf32, #tpu.memory_space<hbm>>) dst(%dma_wait3A_307 : memref<16x64xf32, #tpu.memory_space<vmem>>)
    %dma_wait3A_313 = arith.constant 48 : i32
    %dma_wait3A_314 = arith.constant 0 : i32
    %dma_wait3A_315 = tpu.memref_slice %arg9[%dma_wait3A_313, %dma_wait3A_314] : memref<256x64xf32, #tpu.memory_space<vmem>> -> memref<16x64xf32, #tpu.memory_space<vmem>>
    %dma_wait3A_316 = arith.constant 48 : i32
    %dma_wait3A_317 = tpu.memref_slice %arg7[%dma_wait3A_316] : memref<256xi32, #tpu.memory_space<vmem>> -> memref<16xi32, #tpu.memory_space<vmem>>
    %dma_wait3A_318 = arith.constant 0 : i32
    %dma_wait3A_319 = arith.constant 0 : i32
    %dma_wait3A_320 = tpu.memref_slice %arg3[%dma_wait3A_318, %dma_wait3A_319] : memref<32768x64xf32, #tpu.memory_space<hbm>> -> memref<32768x64xf32, #tpu.memory_space<hbm>>
    tpu.wait_indirect_dma semaphore(%arg12 : memref<!tpu.dma_semaphore, #tpu.memory_space<semaphore_mem>>) src(%dma_wait3A_320 : memref<32768x64xf32, #tpu.memory_space<hbm>>) dst(%dma_wait3A_315 : memref<16x64xf32, #tpu.memory_space<vmem>>)
    %dma_wait3A_321 = arith.constant 64 : i32
    %dma_wait3A_322 = arith.constant 0 : i32
    %dma_wait3A_323 = tpu.memref_slice %arg8[%dma_wait3A_321, %dma_wait3A_322] : memref<256x64xf32, #tpu.memory_space<vmem>> -> memref<16x64xf32, #tpu.memory_space<vmem>>
    %dma_wait3A_324 = arith.constant 64 : i32
    %dma_wait3A_325 = tpu.memref_slice %arg7[%dma_wait3A_324] : memref<256xi32, #tpu.memory_space<vmem>> -> memref<16xi32, #tpu.memory_space<vmem>>
    %dma_wait3A_326 = arith.constant 0 : i32
    %dma_wait3A_327 = arith.constant 0 : i32
    %dma_wait3A_328 = tpu.memref_slice %arg2[%dma_wait3A_326, %dma_wait3A_327] : memref<32768x64xf32, #tpu.memory_space<hbm>> -> memref<32768x64xf32, #tpu.memory_space<hbm>>
    tpu.wait_indirect_dma semaphore(%arg11 : memref<!tpu.dma_semaphore, #tpu.memory_space<semaphore_mem>>) src(%dma_wait3A_328 : memref<32768x64xf32, #tpu.memory_space<hbm>>) dst(%dma_wait3A_323 : memref<16x64xf32, #tpu.memory_space<vmem>>)
    %dma_wait3A_329 = arith.constant 64 : i32
    %dma_wait3A_330 = arith.constant 0 : i32
    %dma_wait3A_331 = tpu.memref_slice %arg9[%dma_wait3A_329, %dma_wait3A_330] : memref<256x64xf32, #tpu.memory_space<vmem>> -> memref<16x64xf32, #tpu.memory_space<vmem>>
    %dma_wait3A_332 = arith.constant 64 : i32
    %dma_wait3A_333 = tpu.memref_slice %arg7[%dma_wait3A_332] : memref<256xi32, #tpu.memory_space<vmem>> -> memref<16xi32, #tpu.memory_space<vmem>>
    %dma_wait3A_334 = arith.constant 0 : i32
    %dma_wait3A_335 = arith.constant 0 : i32
    %dma_wait3A_336 = tpu.memref_slice %arg3[%dma_wait3A_334, %dma_wait3A_335] : memref<32768x64xf32, #tpu.memory_space<hbm>> -> memref<32768x64xf32, #tpu.memory_space<hbm>>
    tpu.wait_indirect_dma semaphore(%arg12 : memref<!tpu.dma_semaphore, #tpu.memory_space<semaphore_mem>>) src(%dma_wait3A_336 : memref<32768x64xf32, #tpu.memory_space<hbm>>) dst(%dma_wait3A_331 : memref<16x64xf32, #tpu.memory_space<vmem>>)
    %dma_wait3A_337 = arith.constant 80 : i32
    %dma_wait3A_338 = arith.constant 0 : i32
    %dma_wait3A_339 = tpu.memref_slice %arg8[%dma_wait3A_337, %dma_wait3A_338] : memref<256x64xf32, #tpu.memory_space<vmem>> -> memref<16x64xf32, #tpu.memory_space<vmem>>
    %dma_wait3A_340 = arith.constant 80 : i32
    %dma_wait3A_341 = tpu.memref_slice %arg7[%dma_wait3A_340] : memref<256xi32, #tpu.memory_space<vmem>> -> memref<16xi32, #tpu.memory_space<vmem>>
    %dma_wait3A_342 = arith.constant 0 : i32
    %dma_wait3A_343 = arith.constant 0 : i32
    %dma_wait3A_344 = tpu.memref_slice %arg2[%dma_wait3A_342, %dma_wait3A_343] : memref<32768x64xf32, #tpu.memory_space<hbm>> -> memref<32768x64xf32, #tpu.memory_space<hbm>>
    tpu.wait_indirect_dma semaphore(%arg11 : memref<!tpu.dma_semaphore, #tpu.memory_space<semaphore_mem>>) src(%dma_wait3A_344 : memref<32768x64xf32, #tpu.memory_space<hbm>>) dst(%dma_wait3A_339 : memref<16x64xf32, #tpu.memory_space<vmem>>)
    %dma_wait3A_345 = arith.constant 80 : i32
    %dma_wait3A_346 = arith.constant 0 : i32
    %dma_wait3A_347 = tpu.memref_slice %arg9[%dma_wait3A_345, %dma_wait3A_346] : memref<256x64xf32, #tpu.memory_space<vmem>> -> memref<16x64xf32, #tpu.memory_space<vmem>>
    %dma_wait3A_348 = arith.constant 80 : i32
    %dma_wait3A_349 = tpu.memref_slice %arg7[%dma_wait3A_348] : memref<256xi32, #tpu.memory_space<vmem>> -> memref<16xi32, #tpu.memory_space<vmem>>
    %dma_wait3A_350 = arith.constant 0 : i32
    %dma_wait3A_351 = arith.constant 0 : i32
    %dma_wait3A_352 = tpu.memref_slice %arg3[%dma_wait3A_350, %dma_wait3A_351] : memref<32768x64xf32, #tpu.memory_space<hbm>> -> memref<32768x64xf32, #tpu.memory_space<hbm>>
    tpu.wait_indirect_dma semaphore(%arg12 : memref<!tpu.dma_semaphore, #tpu.memory_space<semaphore_mem>>) src(%dma_wait3A_352 : memref<32768x64xf32, #tpu.memory_space<hbm>>) dst(%dma_wait3A_347 : memref<16x64xf32, #tpu.memory_space<vmem>>)
    %dma_wait3A_353 = arith.constant 96 : i32
    %dma_wait3A_354 = arith.constant 0 : i32
    %dma_wait3A_355 = tpu.memref_slice %arg8[%dma_wait3A_353, %dma_wait3A_354] : memref<256x64xf32, #tpu.memory_space<vmem>> -> memref<16x64xf32, #tpu.memory_space<vmem>>
    %dma_wait3A_356 = arith.constant 96 : i32
    %dma_wait3A_357 = tpu.memref_slice %arg7[%dma_wait3A_356] : memref<256xi32, #tpu.memory_space<vmem>> -> memref<16xi32, #tpu.memory_space<vmem>>
    %dma_wait3A_358 = arith.constant 0 : i32
    %dma_wait3A_359 = arith.constant 0 : i32
    %dma_wait3A_360 = tpu.memref_slice %arg2[%dma_wait3A_358, %dma_wait3A_359] : memref<32768x64xf32, #tpu.memory_space<hbm>> -> memref<32768x64xf32, #tpu.memory_space<hbm>>
    tpu.wait_indirect_dma semaphore(%arg11 : memref<!tpu.dma_semaphore, #tpu.memory_space<semaphore_mem>>) src(%dma_wait3A_360 : memref<32768x64xf32, #tpu.memory_space<hbm>>) dst(%dma_wait3A_355 : memref<16x64xf32, #tpu.memory_space<vmem>>)
    %dma_wait3A_361 = arith.constant 96 : i32
    %dma_wait3A_362 = arith.constant 0 : i32
    %dma_wait3A_363 = tpu.memref_slice %arg9[%dma_wait3A_361, %dma_wait3A_362] : memref<256x64xf32, #tpu.memory_space<vmem>> -> memref<16x64xf32, #tpu.memory_space<vmem>>
    %dma_wait3A_364 = arith.constant 96 : i32
    %dma_wait3A_365 = tpu.memref_slice %arg7[%dma_wait3A_364] : memref<256xi32, #tpu.memory_space<vmem>> -> memref<16xi32, #tpu.memory_space<vmem>>
    %dma_wait3A_366 = arith.constant 0 : i32
    %dma_wait3A_367 = arith.constant 0 : i32
    %dma_wait3A_368 = tpu.memref_slice %arg3[%dma_wait3A_366, %dma_wait3A_367] : memref<32768x64xf32, #tpu.memory_space<hbm>> -> memref<32768x64xf32, #tpu.memory_space<hbm>>
    tpu.wait_indirect_dma semaphore(%arg12 : memref<!tpu.dma_semaphore, #tpu.memory_space<semaphore_mem>>) src(%dma_wait3A_368 : memref<32768x64xf32, #tpu.memory_space<hbm>>) dst(%dma_wait3A_363 : memref<16x64xf32, #tpu.memory_space<vmem>>)
    %dma_wait3A_369 = arith.constant 112 : i32
    %dma_wait3A_370 = arith.constant 0 : i32
    %dma_wait3A_371 = tpu.memref_slice %arg8[%dma_wait3A_369, %dma_wait3A_370] : memref<256x64xf32, #tpu.memory_space<vmem>> -> memref<16x64xf32, #tpu.memory_space<vmem>>
    %dma_wait3A_372 = arith.constant 112 : i32
    %dma_wait3A_373 = tpu.memref_slice %arg7[%dma_wait3A_372] : memref<256xi32, #tpu.memory_space<vmem>> -> memref<16xi32, #tpu.memory_space<vmem>>
    %dma_wait3A_374 = arith.constant 0 : i32
    %dma_wait3A_375 = arith.constant 0 : i32
    %dma_wait3A_376 = tpu.memref_slice %arg2[%dma_wait3A_374, %dma_wait3A_375] : memref<32768x64xf32, #tpu.memory_space<hbm>> -> memref<32768x64xf32, #tpu.memory_space<hbm>>
    tpu.wait_indirect_dma semaphore(%arg11 : memref<!tpu.dma_semaphore, #tpu.memory_space<semaphore_mem>>) src(%dma_wait3A_376 : memref<32768x64xf32, #tpu.memory_space<hbm>>) dst(%dma_wait3A_371 : memref<16x64xf32, #tpu.memory_space<vmem>>)
    %dma_wait3A_377 = arith.constant 112 : i32
    %dma_wait3A_378 = arith.constant 0 : i32
    %dma_wait3A_379 = tpu.memref_slice %arg9[%dma_wait3A_377, %dma_wait3A_378] : memref<256x64xf32, #tpu.memory_space<vmem>> -> memref<16x64xf32, #tpu.memory_space<vmem>>
    %dma_wait3A_380 = arith.constant 112 : i32
    %dma_wait3A_381 = tpu.memref_slice %arg7[%dma_wait3A_380] : memref<256xi32, #tpu.memory_space<vmem>> -> memref<16xi32, #tpu.memory_space<vmem>>
    %dma_wait3A_382 = arith.constant 0 : i32
    %dma_wait3A_383 = arith.constant 0 : i32
    %dma_wait3A_384 = tpu.memref_slice %arg3[%dma_wait3A_382, %dma_wait3A_383] : memref<32768x64xf32, #tpu.memory_space<hbm>> -> memref<32768x64xf32, #tpu.memory_space<hbm>>
    tpu.wait_indirect_dma semaphore(%arg12 : memref<!tpu.dma_semaphore, #tpu.memory_space<semaphore_mem>>) src(%dma_wait3A_384 : memref<32768x64xf32, #tpu.memory_space<hbm>>) dst(%dma_wait3A_379 : memref<16x64xf32, #tpu.memory_space<vmem>>)
    %dma_wait3A_385 = arith.constant 128 : i32
    %dma_wait3A_386 = arith.constant 0 : i32
    %dma_wait3A_387 = tpu.memref_slice %arg8[%dma_wait3A_385, %dma_wait3A_386] : memref<256x64xf32, #tpu.memory_space<vmem>> -> memref<16x64xf32, #tpu.memory_space<vmem>>
    %dma_wait3A_388 = arith.constant 128 : i32
    %dma_wait3A_389 = tpu.memref_slice %arg7[%dma_wait3A_388] : memref<256xi32, #tpu.memory_space<vmem>> -> memref<16xi32, #tpu.memory_space<vmem>>
    %dma_wait3A_390 = arith.constant 0 : i32
    %dma_wait3A_391 = arith.constant 0 : i32
    %dma_wait3A_392 = tpu.memref_slice %arg2[%dma_wait3A_390, %dma_wait3A_391] : memref<32768x64xf32, #tpu.memory_space<hbm>> -> memref<32768x64xf32, #tpu.memory_space<hbm>>
    tpu.wait_indirect_dma semaphore(%arg11 : memref<!tpu.dma_semaphore, #tpu.memory_space<semaphore_mem>>) src(%dma_wait3A_392 : memref<32768x64xf32, #tpu.memory_space<hbm>>) dst(%dma_wait3A_387 : memref<16x64xf32, #tpu.memory_space<vmem>>)
    %dma_wait3A_393 = arith.constant 128 : i32
    %dma_wait3A_394 = arith.constant 0 : i32
    %dma_wait3A_395 = tpu.memref_slice %arg9[%dma_wait3A_393, %dma_wait3A_394] : memref<256x64xf32, #tpu.memory_space<vmem>> -> memref<16x64xf32, #tpu.memory_space<vmem>>
    %dma_wait3A_396 = arith.constant 128 : i32
    %dma_wait3A_397 = tpu.memref_slice %arg7[%dma_wait3A_396] : memref<256xi32, #tpu.memory_space<vmem>> -> memref<16xi32, #tpu.memory_space<vmem>>
    %dma_wait3A_398 = arith.constant 0 : i32
    %dma_wait3A_399 = arith.constant 0 : i32
    %dma_wait3A_400 = tpu.memref_slice %arg3[%dma_wait3A_398, %dma_wait3A_399] : memref<32768x64xf32, #tpu.memory_space<hbm>> -> memref<32768x64xf32, #tpu.memory_space<hbm>>
    tpu.wait_indirect_dma semaphore(%arg12 : memref<!tpu.dma_semaphore, #tpu.memory_space<semaphore_mem>>) src(%dma_wait3A_400 : memref<32768x64xf32, #tpu.memory_space<hbm>>) dst(%dma_wait3A_395 : memref<16x64xf32, #tpu.memory_space<vmem>>)
    %dma_wait3A_401 = arith.constant 144 : i32
    %dma_wait3A_402 = arith.constant 0 : i32
    %dma_wait3A_403 = tpu.memref_slice %arg8[%dma_wait3A_401, %dma_wait3A_402] : memref<256x64xf32, #tpu.memory_space<vmem>> -> memref<16x64xf32, #tpu.memory_space<vmem>>
    %dma_wait3A_404 = arith.constant 144 : i32
    %dma_wait3A_405 = tpu.memref_slice %arg7[%dma_wait3A_404] : memref<256xi32, #tpu.memory_space<vmem>> -> memref<16xi32, #tpu.memory_space<vmem>>
    %dma_wait3A_406 = arith.constant 0 : i32
    %dma_wait3A_407 = arith.constant 0 : i32
    %dma_wait3A_408 = tpu.memref_slice %arg2[%dma_wait3A_406, %dma_wait3A_407] : memref<32768x64xf32, #tpu.memory_space<hbm>> -> memref<32768x64xf32, #tpu.memory_space<hbm>>
    tpu.wait_indirect_dma semaphore(%arg11 : memref<!tpu.dma_semaphore, #tpu.memory_space<semaphore_mem>>) src(%dma_wait3A_408 : memref<32768x64xf32, #tpu.memory_space<hbm>>) dst(%dma_wait3A_403 : memref<16x64xf32, #tpu.memory_space<vmem>>)
    %dma_wait3A_409 = arith.constant 144 : i32
    %dma_wait3A_410 = arith.constant 0 : i32
    %dma_wait3A_411 = tpu.memref_slice %arg9[%dma_wait3A_409, %dma_wait3A_410] : memref<256x64xf32, #tpu.memory_space<vmem>> -> memref<16x64xf32, #tpu.memory_space<vmem>>
    %dma_wait3A_412 = arith.constant 144 : i32
    %dma_wait3A_413 = tpu.memref_slice %arg7[%dma_wait3A_412] : memref<256xi32, #tpu.memory_space<vmem>> -> memref<16xi32, #tpu.memory_space<vmem>>
    %dma_wait3A_414 = arith.constant 0 : i32
    %dma_wait3A_415 = arith.constant 0 : i32
    %dma_wait3A_416 = tpu.memref_slice %arg3[%dma_wait3A_414, %dma_wait3A_415] : memref<32768x64xf32, #tpu.memory_space<hbm>> -> memref<32768x64xf32, #tpu.memory_space<hbm>>
    tpu.wait_indirect_dma semaphore(%arg12 : memref<!tpu.dma_semaphore, #tpu.memory_space<semaphore_mem>>) src(%dma_wait3A_416 : memref<32768x64xf32, #tpu.memory_space<hbm>>) dst(%dma_wait3A_411 : memref<16x64xf32, #tpu.memory_space<vmem>>)
    %dma_wait3A_417 = arith.constant 160 : i32
    %dma_wait3A_418 = arith.constant 0 : i32
    %dma_wait3A_419 = tpu.memref_slice %arg8[%dma_wait3A_417, %dma_wait3A_418] : memref<256x64xf32, #tpu.memory_space<vmem>> -> memref<16x64xf32, #tpu.memory_space<vmem>>
    %dma_wait3A_420 = arith.constant 160 : i32
    %dma_wait3A_421 = tpu.memref_slice %arg7[%dma_wait3A_420] : memref<256xi32, #tpu.memory_space<vmem>> -> memref<16xi32, #tpu.memory_space<vmem>>
    %dma_wait3A_422 = arith.constant 0 : i32
    %dma_wait3A_423 = arith.constant 0 : i32
    %dma_wait3A_424 = tpu.memref_slice %arg2[%dma_wait3A_422, %dma_wait3A_423] : memref<32768x64xf32, #tpu.memory_space<hbm>> -> memref<32768x64xf32, #tpu.memory_space<hbm>>
    tpu.wait_indirect_dma semaphore(%arg11 : memref<!tpu.dma_semaphore, #tpu.memory_space<semaphore_mem>>) src(%dma_wait3A_424 : memref<32768x64xf32, #tpu.memory_space<hbm>>) dst(%dma_wait3A_419 : memref<16x64xf32, #tpu.memory_space<vmem>>)
    %dma_wait3A_425 = arith.constant 160 : i32
    %dma_wait3A_426 = arith.constant 0 : i32
    %dma_wait3A_427 = tpu.memref_slice %arg9[%dma_wait3A_425, %dma_wait3A_426] : memref<256x64xf32, #tpu.memory_space<vmem>> -> memref<16x64xf32, #tpu.memory_space<vmem>>
    %dma_wait3A_428 = arith.constant 160 : i32
    %dma_wait3A_429 = tpu.memref_slice %arg7[%dma_wait3A_428] : memref<256xi32, #tpu.memory_space<vmem>> -> memref<16xi32, #tpu.memory_space<vmem>>
    %dma_wait3A_430 = arith.constant 0 : i32
    %dma_wait3A_431 = arith.constant 0 : i32
    %dma_wait3A_432 = tpu.memref_slice %arg3[%dma_wait3A_430, %dma_wait3A_431] : memref<32768x64xf32, #tpu.memory_space<hbm>> -> memref<32768x64xf32, #tpu.memory_space<hbm>>
    tpu.wait_indirect_dma semaphore(%arg12 : memref<!tpu.dma_semaphore, #tpu.memory_space<semaphore_mem>>) src(%dma_wait3A_432 : memref<32768x64xf32, #tpu.memory_space<hbm>>) dst(%dma_wait3A_427 : memref<16x64xf32, #tpu.memory_space<vmem>>)
    %dma_wait3A_433 = arith.constant 176 : i32
    %dma_wait3A_434 = arith.constant 0 : i32
    %dma_wait3A_435 = tpu.memref_slice %arg8[%dma_wait3A_433, %dma_wait3A_434] : memref<256x64xf32, #tpu.memory_space<vmem>> -> memref<16x64xf32, #tpu.memory_space<vmem>>
    %dma_wait3A_436 = arith.constant 176 : i32
    %dma_wait3A_437 = tpu.memref_slice %arg7[%dma_wait3A_436] : memref<256xi32, #tpu.memory_space<vmem>> -> memref<16xi32, #tpu.memory_space<vmem>>
    %dma_wait3A_438 = arith.constant 0 : i32
    %dma_wait3A_439 = arith.constant 0 : i32
    %dma_wait3A_440 = tpu.memref_slice %arg2[%dma_wait3A_438, %dma_wait3A_439] : memref<32768x64xf32, #tpu.memory_space<hbm>> -> memref<32768x64xf32, #tpu.memory_space<hbm>>
    tpu.wait_indirect_dma semaphore(%arg11 : memref<!tpu.dma_semaphore, #tpu.memory_space<semaphore_mem>>) src(%dma_wait3A_440 : memref<32768x64xf32, #tpu.memory_space<hbm>>) dst(%dma_wait3A_435 : memref<16x64xf32, #tpu.memory_space<vmem>>)
    %dma_wait3A_441 = arith.constant 176 : i32
    %dma_wait3A_442 = arith.constant 0 : i32
    %dma_wait3A_443 = tpu.memref_slice %arg9[%dma_wait3A_441, %dma_wait3A_442] : memref<256x64xf32, #tpu.memory_space<vmem>> -> memref<16x64xf32, #tpu.memory_space<vmem>>
    %dma_wait3A_444 = arith.constant 176 : i32
    %dma_wait3A_445 = tpu.memref_slice %arg7[%dma_wait3A_444] : memref<256xi32, #tpu.memory_space<vmem>> -> memref<16xi32, #tpu.memory_space<vmem>>
    %dma_wait3A_446 = arith.constant 0 : i32
    %dma_wait3A_447 = arith.constant 0 : i32
    %dma_wait3A_448 = tpu.memref_slice %arg3[%dma_wait3A_446, %dma_wait3A_447] : memref<32768x64xf32, #tpu.memory_space<hbm>> -> memref<32768x64xf32, #tpu.memory_space<hbm>>
    tpu.wait_indirect_dma semaphore(%arg12 : memref<!tpu.dma_semaphore, #tpu.memory_space<semaphore_mem>>) src(%dma_wait3A_448 : memref<32768x64xf32, #tpu.memory_space<hbm>>) dst(%dma_wait3A_443 : memref<16x64xf32, #tpu.memory_space<vmem>>)
    %dma_wait3A_449 = arith.constant 192 : i32
    %dma_wait3A_450 = arith.constant 0 : i32
    %dma_wait3A_451 = tpu.memref_slice %arg8[%dma_wait3A_449, %dma_wait3A_450] : memref<256x64xf32, #tpu.memory_space<vmem>> -> memref<16x64xf32, #tpu.memory_space<vmem>>
    %dma_wait3A_452 = arith.constant 192 : i32
    %dma_wait3A_453 = tpu.memref_slice %arg7[%dma_wait3A_452] : memref<256xi32, #tpu.memory_space<vmem>> -> memref<16xi32, #tpu.memory_space<vmem>>
    %dma_wait3A_454 = arith.constant 0 : i32
    %dma_wait3A_455 = arith.constant 0 : i32
    %dma_wait3A_456 = tpu.memref_slice %arg2[%dma_wait3A_454, %dma_wait3A_455] : memref<32768x64xf32, #tpu.memory_space<hbm>> -> memref<32768x64xf32, #tpu.memory_space<hbm>>
    tpu.wait_indirect_dma semaphore(%arg11 : memref<!tpu.dma_semaphore, #tpu.memory_space<semaphore_mem>>) src(%dma_wait3A_456 : memref<32768x64xf32, #tpu.memory_space<hbm>>) dst(%dma_wait3A_451 : memref<16x64xf32, #tpu.memory_space<vmem>>)
    %dma_wait3A_457 = arith.constant 192 : i32
    %dma_wait3A_458 = arith.constant 0 : i32
    %dma_wait3A_459 = tpu.memref_slice %arg9[%dma_wait3A_457, %dma_wait3A_458] : memref<256x64xf32, #tpu.memory_space<vmem>> -> memref<16x64xf32, #tpu.memory_space<vmem>>
    %dma_wait3A_460 = arith.constant 192 : i32
    %dma_wait3A_461 = tpu.memref_slice %arg7[%dma_wait3A_460] : memref<256xi32, #tpu.memory_space<vmem>> -> memref<16xi32, #tpu.memory_space<vmem>>
    %dma_wait3A_462 = arith.constant 0 : i32
    %dma_wait3A_463 = arith.constant 0 : i32
    %dma_wait3A_464 = tpu.memref_slice %arg3[%dma_wait3A_462, %dma_wait3A_463] : memref<32768x64xf32, #tpu.memory_space<hbm>> -> memref<32768x64xf32, #tpu.memory_space<hbm>>
    tpu.wait_indirect_dma semaphore(%arg12 : memref<!tpu.dma_semaphore, #tpu.memory_space<semaphore_mem>>) src(%dma_wait3A_464 : memref<32768x64xf32, #tpu.memory_space<hbm>>) dst(%dma_wait3A_459 : memref<16x64xf32, #tpu.memory_space<vmem>>)
    %dma_wait3A_465 = arith.constant 208 : i32
    %dma_wait3A_466 = arith.constant 0 : i32
    %dma_wait3A_467 = tpu.memref_slice %arg8[%dma_wait3A_465, %dma_wait3A_466] : memref<256x64xf32, #tpu.memory_space<vmem>> -> memref<16x64xf32, #tpu.memory_space<vmem>>
    %dma_wait3A_468 = arith.constant 208 : i32
    %dma_wait3A_469 = tpu.memref_slice %arg7[%dma_wait3A_468] : memref<256xi32, #tpu.memory_space<vmem>> -> memref<16xi32, #tpu.memory_space<vmem>>
    %dma_wait3A_470 = arith.constant 0 : i32
    %dma_wait3A_471 = arith.constant 0 : i32
    %dma_wait3A_472 = tpu.memref_slice %arg2[%dma_wait3A_470, %dma_wait3A_471] : memref<32768x64xf32, #tpu.memory_space<hbm>> -> memref<32768x64xf32, #tpu.memory_space<hbm>>
    tpu.wait_indirect_dma semaphore(%arg11 : memref<!tpu.dma_semaphore, #tpu.memory_space<semaphore_mem>>) src(%dma_wait3A_472 : memref<32768x64xf32, #tpu.memory_space<hbm>>) dst(%dma_wait3A_467 : memref<16x64xf32, #tpu.memory_space<vmem>>)
    %dma_wait3A_473 = arith.constant 208 : i32
    %dma_wait3A_474 = arith.constant 0 : i32
    %dma_wait3A_475 = tpu.memref_slice %arg9[%dma_wait3A_473, %dma_wait3A_474] : memref<256x64xf32, #tpu.memory_space<vmem>> -> memref<16x64xf32, #tpu.memory_space<vmem>>
    %dma_wait3A_476 = arith.constant 208 : i32
    %dma_wait3A_477 = tpu.memref_slice %arg7[%dma_wait3A_476] : memref<256xi32, #tpu.memory_space<vmem>> -> memref<16xi32, #tpu.memory_space<vmem>>
    %dma_wait3A_478 = arith.constant 0 : i32
    %dma_wait3A_479 = arith.constant 0 : i32
    %dma_wait3A_480 = tpu.memref_slice %arg3[%dma_wait3A_478, %dma_wait3A_479] : memref<32768x64xf32, #tpu.memory_space<hbm>> -> memref<32768x64xf32, #tpu.memory_space<hbm>>
    tpu.wait_indirect_dma semaphore(%arg12 : memref<!tpu.dma_semaphore, #tpu.memory_space<semaphore_mem>>) src(%dma_wait3A_480 : memref<32768x64xf32, #tpu.memory_space<hbm>>) dst(%dma_wait3A_475 : memref<16x64xf32, #tpu.memory_space<vmem>>)
    %dma_wait3A_481 = arith.constant 224 : i32
    %dma_wait3A_482 = arith.constant 0 : i32
    %dma_wait3A_483 = tpu.memref_slice %arg8[%dma_wait3A_481, %dma_wait3A_482] : memref<256x64xf32, #tpu.memory_space<vmem>> -> memref<16x64xf32, #tpu.memory_space<vmem>>
    %dma_wait3A_484 = arith.constant 224 : i32
    %dma_wait3A_485 = tpu.memref_slice %arg7[%dma_wait3A_484] : memref<256xi32, #tpu.memory_space<vmem>> -> memref<16xi32, #tpu.memory_space<vmem>>
    %dma_wait3A_486 = arith.constant 0 : i32
    %dma_wait3A_487 = arith.constant 0 : i32
    %dma_wait3A_488 = tpu.memref_slice %arg2[%dma_wait3A_486, %dma_wait3A_487] : memref<32768x64xf32, #tpu.memory_space<hbm>> -> memref<32768x64xf32, #tpu.memory_space<hbm>>
    tpu.wait_indirect_dma semaphore(%arg11 : memref<!tpu.dma_semaphore, #tpu.memory_space<semaphore_mem>>) src(%dma_wait3A_488 : memref<32768x64xf32, #tpu.memory_space<hbm>>) dst(%dma_wait3A_483 : memref<16x64xf32, #tpu.memory_space<vmem>>)
    %dma_wait3A_489 = arith.constant 224 : i32
    %dma_wait3A_490 = arith.constant 0 : i32
    %dma_wait3A_491 = tpu.memref_slice %arg9[%dma_wait3A_489, %dma_wait3A_490] : memref<256x64xf32, #tpu.memory_space<vmem>> -> memref<16x64xf32, #tpu.memory_space<vmem>>
    %dma_wait3A_492 = arith.constant 224 : i32
    %dma_wait3A_493 = tpu.memref_slice %arg7[%dma_wait3A_492] : memref<256xi32, #tpu.memory_space<vmem>> -> memref<16xi32, #tpu.memory_space<vmem>>
    %dma_wait3A_494 = arith.constant 0 : i32
    %dma_wait3A_495 = arith.constant 0 : i32
    %dma_wait3A_496 = tpu.memref_slice %arg3[%dma_wait3A_494, %dma_wait3A_495] : memref<32768x64xf32, #tpu.memory_space<hbm>> -> memref<32768x64xf32, #tpu.memory_space<hbm>>
    tpu.wait_indirect_dma semaphore(%arg12 : memref<!tpu.dma_semaphore, #tpu.memory_space<semaphore_mem>>) src(%dma_wait3A_496 : memref<32768x64xf32, #tpu.memory_space<hbm>>) dst(%dma_wait3A_491 : memref<16x64xf32, #tpu.memory_space<vmem>>)
    %dma_wait3A_497 = arith.constant 240 : i32
    %dma_wait3A_498 = arith.constant 0 : i32
    %dma_wait3A_499 = tpu.memref_slice %arg8[%dma_wait3A_497, %dma_wait3A_498] : memref<256x64xf32, #tpu.memory_space<vmem>> -> memref<16x64xf32, #tpu.memory_space<vmem>>
    %dma_wait3A_500 = arith.constant 240 : i32
    %dma_wait3A_501 = tpu.memref_slice %arg7[%dma_wait3A_500] : memref<256xi32, #tpu.memory_space<vmem>> -> memref<16xi32, #tpu.memory_space<vmem>>
    %dma_wait3A_502 = arith.constant 0 : i32
    %dma_wait3A_503 = arith.constant 0 : i32
    %dma_wait3A_504 = tpu.memref_slice %arg2[%dma_wait3A_502, %dma_wait3A_503] : memref<32768x64xf32, #tpu.memory_space<hbm>> -> memref<32768x64xf32, #tpu.memory_space<hbm>>
    tpu.wait_indirect_dma semaphore(%arg11 : memref<!tpu.dma_semaphore, #tpu.memory_space<semaphore_mem>>) src(%dma_wait3A_504 : memref<32768x64xf32, #tpu.memory_space<hbm>>) dst(%dma_wait3A_499 : memref<16x64xf32, #tpu.memory_space<vmem>>)
    %dma_wait3A_505 = arith.constant 240 : i32
    %dma_wait3A_506 = arith.constant 0 : i32
    %dma_wait3A_507 = tpu.memref_slice %arg9[%dma_wait3A_505, %dma_wait3A_506] : memref<256x64xf32, #tpu.memory_space<vmem>> -> memref<16x64xf32, #tpu.memory_space<vmem>>
    %dma_wait3A_508 = arith.constant 240 : i32
    %dma_wait3A_509 = tpu.memref_slice %arg7[%dma_wait3A_508] : memref<256xi32, #tpu.memory_space<vmem>> -> memref<16xi32, #tpu.memory_space<vmem>>
    %dma_wait3A_510 = arith.constant 0 : i32
    %dma_wait3A_511 = arith.constant 0 : i32
    %dma_wait3A_512 = tpu.memref_slice %arg3[%dma_wait3A_510, %dma_wait3A_511] : memref<32768x64xf32, #tpu.memory_space<hbm>> -> memref<32768x64xf32, #tpu.memory_space<hbm>>
    tpu.wait_indirect_dma semaphore(%arg12 : memref<!tpu.dma_semaphore, #tpu.memory_space<semaphore_mem>>) src(%dma_wait3A_512 : memref<32768x64xf32, #tpu.memory_space<hbm>>) dst(%dma_wait3A_507 : memref<16x64xf32, #tpu.memory_space<vmem>>)
    "tpu.region"() ({
      %run_scoped3A = tpu.sem_alloc : memref<!tpu.dma_semaphore, #tpu.memory_space<semaphore_mem>>
      %dma_start3A_513 = arith.constant 0 : i32
      %dma_start3A_514 = tpu.memref_slice %arg5[%mul3A_2, %dma_start3A_513] : memref<8192x64xf32, #tpu.memory_space<hbm>> -> memref<256x64xf32, #tpu.memory_space<hbm>>
      %dma_start3A_515 = arith.constant 0 : i32
      %dma_start3A_516 = tpu.memref_slice %arg5[%mul3A_2, %dma_start3A_515] : memref<8192x64xf32, #tpu.memory_space<hbm>> -> memref<256x64xf32, #tpu.memory_space<hbm>>
      tpu.enqueue_dma source(%arg8 : memref<256x64xf32, #tpu.memory_space<vmem>>) target(%dma_start3A_516 : memref<256x64xf32, #tpu.memory_space<hbm>>) target_semaphore(%run_scoped3A : memref<!tpu.dma_semaphore, #tpu.memory_space<semaphore_mem>>)
      %dma_wait3A_517 = arith.constant 0 : i32
      %dma_wait3A_518 = tpu.memref_slice %arg5[%mul3A_2, %dma_wait3A_517] : memref<8192x64xf32, #tpu.memory_space<hbm>> -> memref<256x64xf32, #tpu.memory_space<hbm>>
      %dma_wait3A_519 = arith.constant 0 : i32
      %dma_wait3A_520 = tpu.memref_slice %arg5[%mul3A_2, %dma_wait3A_519] : memref<8192x64xf32, #tpu.memory_space<hbm>> -> memref<256x64xf32, #tpu.memory_space<hbm>>
      tpu.wait_dma2 semaphore(%run_scoped3A : memref<!tpu.dma_semaphore, #tpu.memory_space<semaphore_mem>>) src(%arg8 : memref<256x64xf32, #tpu.memory_space<vmem>>) dst(%dma_wait3A_520 : memref<256x64xf32, #tpu.memory_space<hbm>>)
      tpu.yield
    }) : () -> ()
    "tpu.region"() ({
      %run_scoped3A = tpu.sem_alloc : memref<!tpu.dma_semaphore, #tpu.memory_space<semaphore_mem>>
      %dma_start3A_513 = arith.constant 0 : i32
      %dma_start3A_514 = tpu.memref_slice %arg6[%mul3A_2, %dma_start3A_513] : memref<8192x64xf32, #tpu.memory_space<hbm>> -> memref<256x64xf32, #tpu.memory_space<hbm>>
      %dma_start3A_515 = arith.constant 0 : i32
      %dma_start3A_516 = tpu.memref_slice %arg6[%mul3A_2, %dma_start3A_515] : memref<8192x64xf32, #tpu.memory_space<hbm>> -> memref<256x64xf32, #tpu.memory_space<hbm>>
      tpu.enqueue_dma source(%arg9 : memref<256x64xf32, #tpu.memory_space<vmem>>) target(%dma_start3A_516 : memref<256x64xf32, #tpu.memory_space<hbm>>) target_semaphore(%run_scoped3A : memref<!tpu.dma_semaphore, #tpu.memory_space<semaphore_mem>>)
      %dma_wait3A_517 = arith.constant 0 : i32
      %dma_wait3A_518 = tpu.memref_slice %arg6[%mul3A_2, %dma_wait3A_517] : memref<8192x64xf32, #tpu.memory_space<hbm>> -> memref<256x64xf32, #tpu.memory_space<hbm>>
      %dma_wait3A_519 = arith.constant 0 : i32
      %dma_wait3A_520 = tpu.memref_slice %arg6[%mul3A_2, %dma_wait3A_519] : memref<8192x64xf32, #tpu.memory_space<hbm>> -> memref<256x64xf32, #tpu.memory_space<hbm>>
      tpu.wait_dma2 semaphore(%run_scoped3A : memref<!tpu.dma_semaphore, #tpu.memory_space<semaphore_mem>>) src(%arg9 : memref<256x64xf32, #tpu.memory_space<vmem>>) dst(%dma_wait3A_520 : memref<256x64xf32, #tpu.memory_space<hbm>>)
      tpu.yield
    }) : () -> ()
    return
  }
}

module attributes {stable_mosaic.version = 14 : i64} {
  func.func @_entropy_topk_body(%arg0: i32, %arg1: i32, %arg2: memref<1x1024x2048xf32, #tpu.memory_space<vmem>>, %arg3: memref<1x512x16xi32, #tpu.memory_space<vmem>>, %arg4: memref<2x2x1024xf32, #tpu.memory_space<vmem>>, %arg5: memref<1x512xf32, #tpu.memory_space<vmem>>, %arg6: memref<16x512xf32, #tpu.memory_space<vmem>>) attributes {dimension_semantics = [#tpu.dimension_semantics<arbitrary>, #tpu.dimension_semantics<arbitrary>], iteration_bounds = array<i64: 17, 2>, scalar_prefetch = 0 : i64, scratch_operands = 3 : i64, tpu.core_type = #tpu.core_type<tc>, window_params = [{transform_indices = @transform_0, window_bounds = array<i64: 1, 1024, 2048>}, {pipeline_mode = #tpu.pipeline_mode<synchronous>, transform_indices = @transform_1, window_bounds = array<i64: 1, 512, 16>}]} {
    %lt3A = arith.constant 16 : i32
    %lt3A_0 = arith.cmpi slt, %arg0, %lt3A : i32
    %convert_element_type3A = arith.extui %lt3A_0 : i1 to i32
    %cond3A = arith.constant 0 : i32
    %cond3A_1 = arith.cmpi ne, %convert_element_type3A, %cond3A : i32
    scf.if %cond3A_1 {
      %get3A = arith.constant 0 : index
      %get3A_6 = arith.constant 0 : index
      %get3A_7 = arith.constant 0 : index
      %get3A_8 = vector.load %arg2[%get3A, %get3A_6, %get3A_7] : memref<1x1024x2048xf32, #tpu.memory_space<vmem>>, vector<1x1024x2048xf32>
      %exp3A = math.exp %get3A_8 : vector<1x1024x2048xf32>
      %mul3A = arith.mulf %exp3A, %get3A_8 : vector<1x1024x2048xf32>
      %squeeze3A = vector.shape_cast %mul3A : vector<1x1024x2048xf32> to vector<1024x2048xf32>
      %slice3A = vector.extract_strided_slice %squeeze3A {offsets = [0, 0], sizes = [1024, 128], strides = [1, 1]} : vector<1024x2048xf32> to vector<1024x128xf32>
      %slice3A_9 = vector.extract_strided_slice %squeeze3A {offsets = [0, 128], sizes = [1024, 128], strides = [1, 1]} : vector<1024x2048xf32> to vector<1024x128xf32>
      %add3A = arith.addf %slice3A, %slice3A_9 : vector<1024x128xf32>
      %slice3A_10 = vector.extract_strided_slice %squeeze3A {offsets = [0, 256], sizes = [1024, 128], strides = [1, 1]} : vector<1024x2048xf32> to vector<1024x128xf32>
      %add3A_11 = arith.addf %add3A, %slice3A_10 : vector<1024x128xf32>
      %slice3A_12 = vector.extract_strided_slice %squeeze3A {offsets = [0, 384], sizes = [1024, 128], strides = [1, 1]} : vector<1024x2048xf32> to vector<1024x128xf32>
      %add3A_13 = arith.addf %add3A_11, %slice3A_12 : vector<1024x128xf32>
      %slice3A_14 = vector.extract_strided_slice %squeeze3A {offsets = [0, 512], sizes = [1024, 128], strides = [1, 1]} : vector<1024x2048xf32> to vector<1024x128xf32>
      %add3A_15 = arith.addf %add3A_13, %slice3A_14 : vector<1024x128xf32>
      %slice3A_16 = vector.extract_strided_slice %squeeze3A {offsets = [0, 640], sizes = [1024, 128], strides = [1, 1]} : vector<1024x2048xf32> to vector<1024x128xf32>
      %add3A_17 = arith.addf %add3A_15, %slice3A_16 : vector<1024x128xf32>
      %slice3A_18 = vector.extract_strided_slice %squeeze3A {offsets = [0, 768], sizes = [1024, 128], strides = [1, 1]} : vector<1024x2048xf32> to vector<1024x128xf32>
      %add3A_19 = arith.addf %add3A_17, %slice3A_18 : vector<1024x128xf32>
      %slice3A_20 = vector.extract_strided_slice %squeeze3A {offsets = [0, 896], sizes = [1024, 128], strides = [1, 1]} : vector<1024x2048xf32> to vector<1024x128xf32>
      %add3A_21 = arith.addf %add3A_19, %slice3A_20 : vector<1024x128xf32>
      %slice3A_22 = vector.extract_strided_slice %squeeze3A {offsets = [0, 1024], sizes = [1024, 128], strides = [1, 1]} : vector<1024x2048xf32> to vector<1024x128xf32>
      %add3A_23 = arith.addf %add3A_21, %slice3A_22 : vector<1024x128xf32>
      %slice3A_24 = vector.extract_strided_slice %squeeze3A {offsets = [0, 1152], sizes = [1024, 128], strides = [1, 1]} : vector<1024x2048xf32> to vector<1024x128xf32>
      %add3A_25 = arith.addf %add3A_23, %slice3A_24 : vector<1024x128xf32>
      %slice3A_26 = vector.extract_strided_slice %squeeze3A {offsets = [0, 1280], sizes = [1024, 128], strides = [1, 1]} : vector<1024x2048xf32> to vector<1024x128xf32>
      %add3A_27 = arith.addf %add3A_25, %slice3A_26 : vector<1024x128xf32>
      %slice3A_28 = vector.extract_strided_slice %squeeze3A {offsets = [0, 1408], sizes = [1024, 128], strides = [1, 1]} : vector<1024x2048xf32> to vector<1024x128xf32>
      %add3A_29 = arith.addf %add3A_27, %slice3A_28 : vector<1024x128xf32>
      %slice3A_30 = vector.extract_strided_slice %squeeze3A {offsets = [0, 1536], sizes = [1024, 128], strides = [1, 1]} : vector<1024x2048xf32> to vector<1024x128xf32>
      %add3A_31 = arith.addf %add3A_29, %slice3A_30 : vector<1024x128xf32>
      %slice3A_32 = vector.extract_strided_slice %squeeze3A {offsets = [0, 1664], sizes = [1024, 128], strides = [1, 1]} : vector<1024x2048xf32> to vector<1024x128xf32>
      %add3A_33 = arith.addf %add3A_31, %slice3A_32 : vector<1024x128xf32>
      %slice3A_34 = vector.extract_strided_slice %squeeze3A {offsets = [0, 1792], sizes = [1024, 128], strides = [1, 1]} : vector<1024x2048xf32> to vector<1024x128xf32>
      %add3A_35 = arith.addf %add3A_33, %slice3A_34 : vector<1024x128xf32>
      %slice3A_36 = vector.extract_strided_slice %squeeze3A {offsets = [0, 1920], sizes = [1024, 128], strides = [1, 1]} : vector<1024x2048xf32> to vector<1024x128xf32>
      %add3A_37 = arith.addf %add3A_35, %slice3A_36 : vector<1024x128xf32>
      %transpose3A = tpu.transpose %add3A_37, [1, 0] : vector<1024x128xf32> -> vector<128x1024xf32>
      %reshape3A = vector.shape_cast %transpose3A : vector<128x1024xf32> to vector<16x8x1024xf32>
      %slice3A_38 = vector.extract_strided_slice %reshape3A {offsets = [0, 0, 0], sizes = [1, 8, 1024], strides = [1, 1, 1]} : vector<16x8x1024xf32> to vector<1x8x1024xf32>
      %squeeze3A_39 = vector.shape_cast %slice3A_38 : vector<1x8x1024xf32> to vector<8x1024xf32>
      %slice3A_40 = vector.extract_strided_slice %reshape3A {offsets = [1, 0, 0], sizes = [1, 8, 1024], strides = [1, 1, 1]} : vector<16x8x1024xf32> to vector<1x8x1024xf32>
      %squeeze3A_41 = vector.shape_cast %slice3A_40 : vector<1x8x1024xf32> to vector<8x1024xf32>
      %add3A_42 = arith.addf %squeeze3A_39, %squeeze3A_41 : vector<8x1024xf32>
      %slice3A_43 = vector.extract_strided_slice %reshape3A {offsets = [2, 0, 0], sizes = [1, 8, 1024], strides = [1, 1, 1]} : vector<16x8x1024xf32> to vector<1x8x1024xf32>
      %squeeze3A_44 = vector.shape_cast %slice3A_43 : vector<1x8x1024xf32> to vector<8x1024xf32>
      %add3A_45 = arith.addf %add3A_42, %squeeze3A_44 : vector<8x1024xf32>
      %slice3A_46 = vector.extract_strided_slice %reshape3A {offsets = [3, 0, 0], sizes = [1, 8, 1024], strides = [1, 1, 1]} : vector<16x8x1024xf32> to vector<1x8x1024xf32>
      %squeeze3A_47 = vector.shape_cast %slice3A_46 : vector<1x8x1024xf32> to vector<8x1024xf32>
      %add3A_48 = arith.addf %add3A_45, %squeeze3A_47 : vector<8x1024xf32>
      %slice3A_49 = vector.extract_strided_slice %reshape3A {offsets = [4, 0, 0], sizes = [1, 8, 1024], strides = [1, 1, 1]} : vector<16x8x1024xf32> to vector<1x8x1024xf32>
      %squeeze3A_50 = vector.shape_cast %slice3A_49 : vector<1x8x1024xf32> to vector<8x1024xf32>
      %add3A_51 = arith.addf %add3A_48, %squeeze3A_50 : vector<8x1024xf32>
      %slice3A_52 = vector.extract_strided_slice %reshape3A {offsets = [5, 0, 0], sizes = [1, 8, 1024], strides = [1, 1, 1]} : vector<16x8x1024xf32> to vector<1x8x1024xf32>
      %squeeze3A_53 = vector.shape_cast %slice3A_52 : vector<1x8x1024xf32> to vector<8x1024xf32>
      %add3A_54 = arith.addf %add3A_51, %squeeze3A_53 : vector<8x1024xf32>
      %slice3A_55 = vector.extract_strided_slice %reshape3A {offsets = [6, 0, 0], sizes = [1, 8, 1024], strides = [1, 1, 1]} : vector<16x8x1024xf32> to vector<1x8x1024xf32>
      %squeeze3A_56 = vector.shape_cast %slice3A_55 : vector<1x8x1024xf32> to vector<8x1024xf32>
      %add3A_57 = arith.addf %add3A_54, %squeeze3A_56 : vector<8x1024xf32>
      %slice3A_58 = vector.extract_strided_slice %reshape3A {offsets = [7, 0, 0], sizes = [1, 8, 1024], strides = [1, 1, 1]} : vector<16x8x1024xf32> to vector<1x8x1024xf32>
      %squeeze3A_59 = vector.shape_cast %slice3A_58 : vector<1x8x1024xf32> to vector<8x1024xf32>
      %add3A_60 = arith.addf %add3A_57, %squeeze3A_59 : vector<8x1024xf32>
      %slice3A_61 = vector.extract_strided_slice %reshape3A {offsets = [8, 0, 0], sizes = [1, 8, 1024], strides = [1, 1, 1]} : vector<16x8x1024xf32> to vector<1x8x1024xf32>
      %squeeze3A_62 = vector.shape_cast %slice3A_61 : vector<1x8x1024xf32> to vector<8x1024xf32>
      %add3A_63 = arith.addf %add3A_60, %squeeze3A_62 : vector<8x1024xf32>
      %slice3A_64 = vector.extract_strided_slice %reshape3A {offsets = [9, 0, 0], sizes = [1, 8, 1024], strides = [1, 1, 1]} : vector<16x8x1024xf32> to vector<1x8x1024xf32>
      %squeeze3A_65 = vector.shape_cast %slice3A_64 : vector<1x8x1024xf32> to vector<8x1024xf32>
      %add3A_66 = arith.addf %add3A_63, %squeeze3A_65 : vector<8x1024xf32>
      %slice3A_67 = vector.extract_strided_slice %reshape3A {offsets = [10, 0, 0], sizes = [1, 8, 1024], strides = [1, 1, 1]} : vector<16x8x1024xf32> to vector<1x8x1024xf32>
      %squeeze3A_68 = vector.shape_cast %slice3A_67 : vector<1x8x1024xf32> to vector<8x1024xf32>
      %add3A_69 = arith.addf %add3A_66, %squeeze3A_68 : vector<8x1024xf32>
      %slice3A_70 = vector.extract_strided_slice %reshape3A {offsets = [11, 0, 0], sizes = [1, 8, 1024], strides = [1, 1, 1]} : vector<16x8x1024xf32> to vector<1x8x1024xf32>
      %squeeze3A_71 = vector.shape_cast %slice3A_70 : vector<1x8x1024xf32> to vector<8x1024xf32>
      %add3A_72 = arith.addf %add3A_69, %squeeze3A_71 : vector<8x1024xf32>
      %slice3A_73 = vector.extract_strided_slice %reshape3A {offsets = [12, 0, 0], sizes = [1, 8, 1024], strides = [1, 1, 1]} : vector<16x8x1024xf32> to vector<1x8x1024xf32>
      %squeeze3A_74 = vector.shape_cast %slice3A_73 : vector<1x8x1024xf32> to vector<8x1024xf32>
      %add3A_75 = arith.addf %add3A_72, %squeeze3A_74 : vector<8x1024xf32>
      %slice3A_76 = vector.extract_strided_slice %reshape3A {offsets = [13, 0, 0], sizes = [1, 8, 1024], strides = [1, 1, 1]} : vector<16x8x1024xf32> to vector<1x8x1024xf32>
      %squeeze3A_77 = vector.shape_cast %slice3A_76 : vector<1x8x1024xf32> to vector<8x1024xf32>
      %add3A_78 = arith.addf %add3A_75, %squeeze3A_77 : vector<8x1024xf32>
      %slice3A_79 = vector.extract_strided_slice %reshape3A {offsets = [14, 0, 0], sizes = [1, 8, 1024], strides = [1, 1, 1]} : vector<16x8x1024xf32> to vector<1x8x1024xf32>
      %squeeze3A_80 = vector.shape_cast %slice3A_79 : vector<1x8x1024xf32> to vector<8x1024xf32>
      %add3A_81 = arith.addf %add3A_78, %squeeze3A_80 : vector<8x1024xf32>
      %slice3A_82 = vector.extract_strided_slice %reshape3A {offsets = [15, 0, 0], sizes = [1, 8, 1024], strides = [1, 1, 1]} : vector<16x8x1024xf32> to vector<1x8x1024xf32>
      %squeeze3A_83 = vector.shape_cast %slice3A_82 : vector<1x8x1024xf32> to vector<8x1024xf32>
      %add3A_84 = arith.addf %add3A_81, %squeeze3A_83 : vector<8x1024xf32>
      %slice3A_85 = vector.extract_strided_slice %add3A_84 {offsets = [0, 0], sizes = [4, 1024], strides = [1, 1]} : vector<8x1024xf32> to vector<4x1024xf32>
      %slice3A_86 = vector.extract_strided_slice %add3A_84 {offsets = [4, 0], sizes = [4, 1024], strides = [1, 1]} : vector<8x1024xf32> to vector<4x1024xf32>
      %add3A_87 = arith.addf %slice3A_85, %slice3A_86 : vector<4x1024xf32>
      %slice3A_88 = vector.extract_strided_slice %add3A_87 {offsets = [0, 0], sizes = [2, 1024], strides = [1, 1]} : vector<4x1024xf32> to vector<2x1024xf32>
      %slice3A_89 = vector.extract_strided_slice %add3A_87 {offsets = [2, 0], sizes = [2, 1024], strides = [1, 1]} : vector<4x1024xf32> to vector<2x1024xf32>
      %add3A_90 = arith.addf %slice3A_88, %slice3A_89 : vector<2x1024xf32>
      %slice3A_91 = vector.extract_strided_slice %add3A_90 {offsets = [0, 0], sizes = [1, 1024], strides = [1, 1]} : vector<2x1024xf32> to vector<1x1024xf32>
      %slice3A_92 = vector.extract_strided_slice %add3A_90 {offsets = [1, 0], sizes = [1, 1024], strides = [1, 1]} : vector<2x1024xf32> to vector<1x1024xf32>
      %add3A_93 = arith.addf %slice3A_91, %slice3A_92 : vector<1x1024xf32>
      %reshape3A_94 = vector.shape_cast %add3A_93 : vector<1x1024xf32> to vector<1x1x1024xf32>
      %jit3A = arith.constant 2 : i32
      %eq3A = arith.constant 0 : i32
      %eq3A_95 = arith.cmpi eq, %jit3A, %eq3A : i32
      %jit3A_96 = arith.constant 1 : i32
      %select_n3A = arith.select %eq3A_95, %jit3A_96, %jit3A : i32
      %rem3A = arith.remsi %arg0, %select_n3A : i32
      %ne3A = arith.constant 0 : i32
      %ne3A_97 = arith.cmpi ne, %rem3A, %ne3A : i32
      %lt3A_98 = arith.constant 0 : i32
      %lt3A_99 = arith.cmpi slt, %rem3A, %lt3A_98 : i32
      %lt3A_100 = arith.constant 0 : i32
      %lt3A_101 = arith.cmpi slt, %select_n3A, %lt3A_100 : i32
      %ne3A_102 = arith.xori %lt3A_99, %lt3A_101 : i1
      %and3A = arith.andi %ne3A_102, %ne3A_97 : i1
      %add3A_103 = arith.addi %rem3A, %select_n3A : i32
      %select_n3A_104 = arith.select %and3A, %add3A_103, %rem3A : i32
      %swap3A = arith.index_cast %select_n3A_104 : i32 to index
      %swap3A_105 = arith.index_cast %arg1 : i32 to index
      %swap3A_106 = arith.constant 0 : index
      %swap3A_107 = vector.load %arg4[%swap3A, %swap3A_105, %swap3A_106] : memref<2x2x1024xf32, #tpu.memory_space<vmem>>, vector<1x1x1024xf32>
      tpu.vector_store %arg4[%swap3A, %swap3A_105, %swap3A_106], %reshape3A_94 {strides = array<i32>} : memref<2x2x1024xf32, #tpu.memory_space<vmem>>, vector<1x1x1024xf32>,
    } else {
    }
    %ge3A = arith.constant 1 : i32
    %ge3A_2 = arith.cmpi sge, %arg0, %ge3A : i32
    %convert_element_type3A_3 = arith.extui %ge3A_2 : i1 to i32
    %cond3A_4 = arith.constant 0 : i32
    %cond3A_5 = arith.cmpi ne, %convert_element_type3A_3, %cond3A_4 : i32
    scf.if %cond3A_5 {
      %sub3A = arith.constant 1 : i32
      %sub3A_6 = arith.subi %arg0, %sub3A : i32
      %add3A = arith.constant 1 : i32
      %add3A_7 = arith.addi %arg0, %add3A : i32
      %jit3A = arith.constant 2 : i32
      %eq3A = arith.constant 0 : i32
      %eq3A_8 = arith.cmpi eq, %jit3A, %eq3A : i32
      %jit3A_9 = arith.constant 1 : i32
      %select_n3A = arith.select %eq3A_8, %jit3A_9, %jit3A : i32
      %rem3A = arith.remsi %add3A_7, %select_n3A : i32
      %ne3A = arith.constant 0 : i32
      %ne3A_10 = arith.cmpi ne, %rem3A, %ne3A : i32
      %lt3A_11 = arith.constant 0 : i32
      %lt3A_12 = arith.cmpi slt, %rem3A, %lt3A_11 : i32
      %lt3A_13 = arith.constant 0 : i32
      %lt3A_14 = arith.cmpi slt, %select_n3A, %lt3A_13 : i32
      %ne3A_15 = arith.xori %lt3A_12, %lt3A_14 : i1
      %and3A = arith.andi %ne3A_15, %ne3A_10 : i1
      %add3A_16 = arith.addi %rem3A, %select_n3A : i32
      %select_n3A_17 = arith.select %and3A, %add3A_16, %rem3A : i32
      %get3A = arith.index_cast %select_n3A_17 : i32 to index
      %get3A_18 = arith.constant 0 : index
      %get3A_19 = arith.constant 0 : index
      %get3A_20 = vector.load %arg4[%get3A, %get3A_18, %get3A_19] : memref<2x2x1024xf32, #tpu.memory_space<vmem>>, vector<1x2x1024xf32>
      %squeeze3A = vector.shape_cast %get3A_20 : vector<1x2x1024xf32> to vector<2x1024xf32>
      %get3A_21 = arith.index_cast %select_n3A_17 : i32 to index
      %get3A_22 = arith.index_cast %arg1 : i32 to index
      %get3A_23 = arith.constant 0 : index
      %get3A_24 = vector.load %arg4[%get3A_21, %get3A_22, %get3A_23] : memref<2x2x1024xf32, #tpu.memory_space<vmem>>, vector<1x1x1024xf32>
      %reshape3A = vector.shape_cast %get3A_24 : vector<1x1x1024xf32> to vector<1x1024xf32>
      %reshape3A_25 = vector.shape_cast %reshape3A : vector<1x1024xf32> to vector<1024x1xf32>
      %iota3A = tpu.iota {dimensions = array<i32: 1>} : vector<1024x1024xi32>
      %iota3A_26 = tpu.iota {dimensions = array<i32: 0>} : vector<1024x1024xi32>
      %lt3A_27 = arith.cmpi slt, %iota3A, %iota3A_26 : vector<1024x1024xi32>
      %slice3A = vector.extract_strided_slice %squeeze3A {offsets = [0, 0], sizes = [1, 1024], strides = [1, 1]} : vector<2x1024xf32> to vector<1x1024xf32>
      %gt3A = vector.broadcast %slice3A : vector<1x1024xf32> to vector<1024x1024xf32>
      %gt3A_28 = vector.broadcast %reshape3A_25 : vector<1024x1xf32> to vector<1024x1024xf32>
      %gt3A_29 = arith.cmpf ogt, %gt3A, %gt3A_28 : vector<1024x1024xf32>
      %eq3A_30 = vector.broadcast %slice3A : vector<1x1024xf32> to vector<1024x1024xf32>
      %eq3A_31 = vector.broadcast %reshape3A_25 : vector<1024x1xf32> to vector<1024x1024xf32>
      %eq3A_32 = arith.cmpf oeq, %eq3A_30, %eq3A_31 : vector<1024x1024xf32>
      %gt3A_33 = arith.constant 0 : i32
      %gt3A_34 = arith.cmpi sgt, %arg1, %gt3A_33 : i32
      %jit3A_35 = arith.constant 1.000000e+00 : f32
      %jit3A_36 = arith.constant 0.000000e+00 : f32
      %select_n3A_37 = arith.select %gt3A_34, %jit3A_35, %jit3A_36 : f32
      %jit3A_38 = arith.constant 0.000000e+00 : f32
      %broadcast_in_dim3A = vector.broadcast %select_n3A_37 : f32 to vector<1024x1024xf32>
      %broadcast_in_dim3A_39 = vector.broadcast %jit3A_38 : f32 to vector<1024x1024xf32>
      %select_n3A_40 = arith.select %eq3A_32, %broadcast_in_dim3A, %broadcast_in_dim3A_39 : vector<1024x1024xi1>, vector<1024x1024xf32>
      %jit3A_41 = arith.constant 1.000000e+00 : f32
      %broadcast_in_dim3A_42 = vector.broadcast %jit3A_41 : f32 to vector<1024x1024xf32>
      %select_n3A_43 = arith.select %gt3A_29, %broadcast_in_dim3A_42, %select_n3A_40 : vector<1024x1024xi1>, vector<1024x1024xf32>
      %slice3A_44 = vector.extract_strided_slice %squeeze3A {offsets = [1, 0], sizes = [1, 1024], strides = [1, 1]} : vector<2x1024xf32> to vector<1x1024xf32>
      %gt3A_45 = vector.broadcast %slice3A_44 : vector<1x1024xf32> to vector<1024x1024xf32>
      %gt3A_46 = vector.broadcast %reshape3A_25 : vector<1024x1xf32> to vector<1024x1024xf32>
      %gt3A_47 = arith.cmpf ogt, %gt3A_45, %gt3A_46 : vector<1024x1024xf32>
      %eq3A_48 = vector.broadcast %slice3A_44 : vector<1x1024xf32> to vector<1024x1024xf32>
      %eq3A_49 = vector.broadcast %reshape3A_25 : vector<1024x1xf32> to vector<1024x1024xf32>
      %eq3A_50 = arith.cmpf oeq, %eq3A_48, %eq3A_49 : vector<1024x1024xf32>
      %gt3A_51 = arith.constant 1 : i32
      %gt3A_52 = arith.cmpi sgt, %arg1, %gt3A_51 : i32
      %jit3A_53 = arith.constant 1.000000e+00 : f32
      %jit3A_54 = arith.constant 0.000000e+00 : f32
      %select_n3A_55 = arith.select %gt3A_52, %jit3A_53, %jit3A_54 : f32
      %jit3A_56 = arith.constant 0.000000e+00 : f32
      %broadcast_in_dim3A_57 = vector.broadcast %select_n3A_55 : f32 to vector<1024x1024xf32>
      %broadcast_in_dim3A_58 = vector.broadcast %jit3A_56 : f32 to vector<1024x1024xf32>
      %select_n3A_59 = arith.select %eq3A_50, %broadcast_in_dim3A_57, %broadcast_in_dim3A_58 : vector<1024x1024xi1>, vector<1024x1024xf32>
      %jit3A_60 = arith.constant 1.000000e+00 : f32
      %broadcast_in_dim3A_61 = vector.broadcast %jit3A_60 : f32 to vector<1024x1024xf32>
      %select_n3A_62 = arith.select %gt3A_47, %broadcast_in_dim3A_61, %select_n3A_59 : vector<1024x1024xi1>, vector<1024x1024xf32>
      %add3A_63 = arith.addf %select_n3A_43, %select_n3A_62 : vector<1024x1024xf32>
      %eq3A_64 = vector.broadcast %reshape3A : vector<1x1024xf32> to vector<1024x1024xf32>
      %eq3A_65 = vector.broadcast %reshape3A_25 : vector<1024x1xf32> to vector<1024x1024xf32>
      %eq3A_66 = arith.cmpf oeq, %eq3A_64, %eq3A_65 : vector<1024x1024xf32>
      %and3A_67 = arith.andi %eq3A_66, %lt3A_27 : vector<1024x1024xi1>
      %jit3A_68 = arith.constant 1.000000e+00 : f32
      %jit3A_69 = arith.constant 0.000000e+00 : f32
      %broadcast_in_dim3A_70 = vector.broadcast %jit3A_68 : f32 to vector<1024x1024xf32>
      %broadcast_in_dim3A_71 = vector.broadcast %jit3A_69 : f32 to vector<1024x1024xf32>
      %select_n3A_72 = arith.select %and3A_67, %broadcast_in_dim3A_70, %broadcast_in_dim3A_71 : vector<1024x1024xi1>, vector<1024x1024xf32>
      %add3A_73 = arith.addf %add3A_63, %select_n3A_72 : vector<1024x1024xf32>
      %reduce_sum3A = arith.constant dense<0.000000e+00> : vector<1024xf32>
      %reduce_sum3A_74 = vector.multi_reduction <add>, %add3A_73, %reduce_sum3A [1] : vector<1024x1024xf32> to vector<1024xf32>
      %broadcast_in_dim3A_75 = vector.shape_cast %reduce_sum3A_74 : vector<1024xf32> to vector<1024x1xf32>
      %iota3A_76 = tpu.iota {dimensions = array<i32: 1>} : vector<1024x512xi32>
      %convert_element_type3A_77 = arith.sitofp %iota3A_76 : vector<1024x512xi32> to vector<1024x512xf32>
      %eq3A_78 = vector.broadcast %broadcast_in_dim3A_75 : vector<1024x1xf32> to vector<1024x512xf32>
      %eq3A_79 = arith.cmpf oeq, %eq3A_78, %convert_element_type3A_77 : vector<1024x512xf32>
      %iota3A_80 = tpu.iota {dimensions = array<i32: 0>} : vector<1024x512xi32>
      %convert_element_type3A_81 = arith.sitofp %iota3A_80 : vector<1024x512xi32> to vector<1024x512xf32>
      %convert_element_type3A_82 = arith.sitofp %arg1 : i32 to f32
      %mul3A = arith.constant 1.024000e+03 : f32
      %mul3A_83 = arith.mulf %convert_element_type3A_82, %mul3A : f32
      %add3A_84 = vector.broadcast %mul3A_83 : f32 to vector<1024x512xf32>
      %add3A_85 = arith.addf %convert_element_type3A_81, %add3A_84 : vector<1024x512xf32>
      %jit3A_86 = arith.constant 0.000000e+00 : f32
      %broadcast_in_dim3A_87 = vector.broadcast %jit3A_86 : f32 to vector<1024x512xf32>
      %select_n3A_88 = arith.select %eq3A_79, %add3A_85, %broadcast_in_dim3A_87 : vector<1024x512xi1>, vector<1024x512xf32>
      %reduce_sum3A_89 = arith.constant dense<0.000000e+00> : vector<512xf32>
      %reduce_sum3A_90 = vector.multi_reduction <add>, %select_n3A_88, %reduce_sum3A_89 [0] : vector<1024x512xf32> to vector<512xf32>
      %broadcast_in_dim3A_91 = vector.shape_cast %reduce_sum3A_90 : vector<512xf32> to vector<1x512xf32>
      %eq3A_92 = arith.constant 0 : i32
      %eq3A_93 = arith.cmpi eq, %arg1, %eq3A_92 : i32
      %convert_element_type3A_94 = arith.extui %eq3A_93 : i1 to i32
      %cond3A_95 = arith.constant 0 : i32
      %cond3A_96 = arith.cmpi ne, %convert_element_type3A_94, %cond3A_95 : i32
      scf.if %cond3A_96 {
        %swap3A = arith.constant 0 : index
        %swap3A_115 = arith.constant 0 : index
        %swap3A_116 = vector.load %arg5[%swap3A, %swap3A_115] : memref<1x512xf32, #tpu.memory_space<vmem>>, vector<1x512xf32>
        tpu.vector_store %arg5[%swap3A, %swap3A_115], %broadcast_in_dim3A_91 {strides = array<i32>} : memref<1x512xf32, #tpu.memory_space<vmem>>, vector<1x512xf32>,
      } else {
      }
      %gt3A_97 = arith.constant 0 : i32
      %gt3A_98 = arith.cmpi sgt, %arg1, %gt3A_97 : i32
      %convert_element_type3A_99 = arith.extui %gt3A_98 : i1 to i32
      %cond3A_100 = arith.constant 0 : i32
      %cond3A_101 = arith.cmpi ne, %convert_element_type3A_99, %cond3A_100 : i32
      scf.if %cond3A_101 {
        %get3A_115 = arith.constant 0 : index
        %get3A_116 = arith.constant 0 : index
        %get3A_117 = vector.load %arg5[%get3A_115, %get3A_116] : memref<1x512xf32, #tpu.memory_space<vmem>>, vector<1x512xf32>
        %add3A_118 = arith.addf %get3A_117, %broadcast_in_dim3A_91 : vector<1x512xf32>
        %swap3A = arith.constant 0 : index
        %swap3A_119 = arith.constant 0 : index
        %swap3A_120 = vector.load %arg5[%swap3A, %swap3A_119] : memref<1x512xf32, #tpu.memory_space<vmem>>, vector<1x512xf32>
        tpu.vector_store %arg5[%swap3A, %swap3A_119], %add3A_118 {strides = array<i32>} : memref<1x512xf32, #tpu.memory_space<vmem>>, vector<1x512xf32>,
      } else {
      }
      %eq3A_102 = arith.constant 1 : i32
      %eq3A_103 = arith.cmpi eq, %arg1, %eq3A_102 : i32
      %convert_element_type3A_104 = arith.extui %eq3A_103 : i1 to i32
      %cond3A_105 = arith.constant 0 : i32
      %cond3A_106 = arith.cmpi ne, %convert_element_type3A_104, %cond3A_105 : i32
      scf.if %cond3A_106 {
        %get3A_115 = arith.constant 0 : index
        %get3A_116 = arith.constant 0 : index
        %get3A_117 = vector.load %arg5[%get3A_115, %get3A_116] : memref<1x512xf32, #tpu.memory_space<vmem>>, vector<1x512xf32>
        %swap3A = arith.index_cast %sub3A_6 : i32 to index
        %swap3A_118 = arith.constant 0 : index
        %swap3A_119 = vector.load %arg6[%swap3A, %swap3A_118] : memref<16x512xf32, #tpu.memory_space<vmem>>, vector<1x512xf32>
        tpu.vector_store %arg6[%swap3A, %swap3A_118], %get3A_117 {strides = array<i32>} : memref<16x512xf32, #tpu.memory_space<vmem>>, vector<1x512xf32>,
      } else {
      }
      %eq3A_107 = arith.constant 16 : i32
      %eq3A_108 = arith.cmpi eq, %arg0, %eq3A_107 : i32
      %eq3A_109 = arith.constant 1 : i32
      %eq3A_110 = arith.cmpi eq, %arg1, %eq3A_109 : i32
      %and3A_111 = arith.andi %eq3A_108, %eq3A_110 : i1
      %convert_element_type3A_112 = arith.extui %and3A_111 : i1 to i32
      %cond3A_113 = arith.constant 0 : i32
      %cond3A_114 = arith.cmpi ne, %convert_element_type3A_112, %cond3A_113 : i32
      scf.if %cond3A_114 {
        %get3A_115 = arith.constant 0 : index
        %get3A_116 = arith.constant 0 : index
        %get3A_117 = vector.load %arg6[%get3A_115, %get3A_116] : memref<16x512xf32, #tpu.memory_space<vmem>>, vector<16x512xf32>
        %transpose3A = tpu.transpose %get3A_117, [1, 0] : vector<16x512xf32> -> vector<512x16xf32>
        %convert_element_type3A_118 = arith.fptosi %transpose3A : vector<512x16xf32> to vector<512x16xi32>
        %mul3A_119 = arith.constant 16 : i32
        %mul3A_120 = vector.broadcast %mul3A_119 : i32 to vector<512x16xi32>
        %mul3A_121 = arith.muli %convert_element_type3A_118, %mul3A_120 : vector<512x16xi32>
        %iota3A_122 = tpu.iota {dimensions = array<i32: 1>} : vector<512x16xi32>
        %add3A_123 = arith.addi %mul3A_121, %iota3A_122 : vector<512x16xi32>
        %reshape3A_124 = vector.shape_cast %add3A_123 : vector<512x16xi32> to vector<1x512x16xi32>
        %swap3A = arith.constant 0 : index
        %swap3A_125 = arith.constant 0 : index
        %swap3A_126 = arith.constant 0 : index
        %swap3A_127 = vector.load %arg3[%swap3A, %swap3A_125, %swap3A_126] : memref<1x512x16xi32, #tpu.memory_space<vmem>>, vector<1x512x16xi32>
        tpu.vector_store %arg3[%swap3A, %swap3A_125, %swap3A_126], %reshape3A_124 {strides = array<i32>} : memref<1x512x16xi32, #tpu.memory_space<vmem>>, vector<1x512x16xi32>,
      } else {
      }
    } else {
    }
    return
  }
  func.func @transform_0(%arg0: i32, %arg1: i32) -> (i32, i32, i32) {
    %min3A = arith.constant 15 : i32
    %min3A_0 = arith.minsi %arg0, %min3A : i32
    %eq3A = arith.constant 16 : i32
    %eq3A_1 = arith.cmpi eq, %arg0, %eq3A : i32
    %jit3A = arith.constant 1 : i32
    %select_n3A = arith.select %eq3A_1, %jit3A, %arg1 : i32
    %c0_i32 = arith.constant 0 : i32
    %c0_i32_2 = arith.constant 0 : i32
    return %min3A_0, %select_n3A, %c0_i32 : i32, i32, i32
  }
  func.func @transform_1(%arg0: i32, %arg1: i32) -> (i32, i32, i32) {
    %c0_i32 = arith.constant 0 : i32
    %c0_i32_0 = arith.constant 0 : i32
    %c0_i32_1 = arith.constant 0 : i32
    %c0_i32_2 = arith.constant 0 : i32
    return %c0_i32, %c0_i32_0, %c0_i32_1 : i32, i32, i32
  }
}

</mosaic_0001>

<sc_bundles>
// kernel: kernel.4.cloned.1.call-start
scs
__scs_entry_jumppad:
0x0: {  	(pc) =	sbr.rel $0x88, $3  }
0x1: {  	(tag) =	ssettag $0x0;
	lr =	simm.s32 $0x1  }
0x2: {  	[smem:$0x3F9E] =	sst lr;
	_ =	strace $0xD0000000  }
0x3: {  	_ = 	snop  }
0x4: {  	_ = 	snop  }
0x5: {  	_ = 	snop  }
0x6: {  	_ = 	snop  }
0x7: {  	_ = 	snop  }
__scs_overlays_trampoline_lowered:
0x8: {  	[smem:$0x3FAD] =	sst s0  }
0x9: {  	[smem:$0x3FAE] =	sst s1  }
0xa: {  	[smem:$0x3FAF] =	sst s2  }
0xb: {  	[smem:$0x3FB0] =	sst s3  }
0xc: {  	[smem:$0x3FB1] =	sst s4  }
0xd: {  	[smem:$0x3FB2] =	sst s5  }
0xe: {  	[smem:$0x3FB3] =	sst s6  }
0xf: {  	[smem:$0x3FB4] =	sst s7  }
0x10: {  	[smem:$0x3FB5] =	sst s8  }
0x11: {  	[smem:$0x3FB6] =	sst s9;
	s0 =	simm.s32 @!p0 $0x0  }
0x12: {  	s1 =	sld [smem:$0x3F9C];
	s0 =	simm.s32 @p0 $0x1  }
0x13: {  	[smem:$0x3FB7] =	sst s0;
	s0 =	simm.s32 @!p1 $0x0  }
0x14: {  	s2 =	sld [smem:$0x3F9B];
	s0 =	simm.s32 @p1 $0x1  }
0x15: {  	[smem:$0x3FB8] =	sst s0;
	s0 =	simm.s32 @!p2 $0x0  }
0x16: {  	s3 =	sld [smem:$0x3FDB];
	s0 =	simm.s32 @p2 $0x1  }
0x17: {  	s4 =	simm.s32 $0x1BF5;
	[smem:$0x3FBA] =	sst s0  }
0x18: {  	s0 =	sld [smem:$0x3F9D];
	_ =	swait.ge [sflag:s4], $0x0  }
0x19: {  	s7 =	sld [smem:$0x3F9E]  }
0x1a: {  	s8 =	sadd.s32 $0xFFFFE003, lr  }
0x1b: {  	s9 =	sadd.s32 $0xFFFFFEF7, lr;
	s5 =	simm.s32 $0xFFFFFFFF;
	p2 =	slt.u32 s8, $0xFFFFF086  }
0x1c: {  	p1 =	slt.u32 s9, $0xF7A;
	s5 =	simm.s32 @!p2 $0x0  }
0x1d: {  	s5 =	simm.s32 @p1 $0x1;
	p0 =	seq.s32 s7, s2  }
0x1e: {  	s7 =	smul.u32 @!p0 $0xF7A, s2;
	p2 =	seq.s32 @!p0 s5, $0x0  }
0x1f: {  	s9 =	smul.u32 $0xF7A, s1;
	s8 =	simm.s32 @!p0 $0x1BF5;
	p2 =	por !p2, p0  }
0x20: {  	[sflag:s8] =	ssyncset.s32 @!p0 $0xFFFFF086;
	s6 =	sadd.s32 @!p0 s3, s7;
	s7 =	simm.s32 @!p0 $0x108  }
0x21: {  	s3 =	sadd.s32 s3, s9;
	s6 =	sadd.s32 @!p0 $0x88, s6;
	s7 =	simm.s32 @p2 $0x1082  }
0x22: {  	[simem:s7], [sflag:s8] =	dma.local @!p0 [hbm:s6], $0xF7A  }
0x23: {  	s9 =	sor.u32 $0xD0000000, s2;
	s6 =	simm.s32 $0x108;
	_ =	swait.ge @!p0 [sflag:s8], $0x0  }
0x24: {  	s3 =	sadd.s32 $0x88, s3;
	s6 =	simm.s32 @!p1 $0x1082;
	[sflag:s4] =	ssyncset.s32 $0xFFFFF086  }
0x25: {  	[simem:s6], [sflag:s4] =	dma.local [hbm:s3], $0xF7A  }
0x26: {  	[smem:$0x3F9E] =	sst s1;
	(tag) =	ssettag s2;
	_ =	strace s9  }
0x27: {  	s1 =	sld [smem:$0x3FAE]  }
0x28: {  	s2 =	sld [smem:$0x3FAF]  }
0x29: {  	s4 =	sld [smem:$0x3FB1]  }
0x2a: {  	p0 =	seq.s32 s5, $0x0;
	s5 =	sld [smem:$0x3FB2]  }
0x2b: {  	s6 =	sld [smem:$0x3FB3]  }
0x2c: {  	s7 =	sld [smem:$0x3FB4]  }
0x2d: {  	s3 =	simm.s32 $0x108;
	s8 =	sld [smem:$0x3FB5]  }
0x2e: {  	s3 =	simm.s32 @!p0 $0x1082;
	s9 =	sld [smem:$0x3FB6]  }
0x2f: {  	lr =	sadd.s32 s0, s3;
	s0 =	sld [smem:$0x3FAD]  }
0x30: {  	s3 =	sld [smem:$0x3FB0]  }
0x31: {  	[smem:$0x3FB9] =	sst s10  }
0x32: {  	s10 =	sld [smem:$0x3FB7];
	_ =	sdelay $0x3  }
0x33: {  	p0 =	seq.s32 s10, $0x1;
	s10 =	sld [smem:$0x3FB9];
	_ =	sdelay $0x3  }
0x34: {  	[smem:$0x3FB9] =	sst s10  }
0x35: {  	s10 =	sld [smem:$0x3FB8];
	_ =	sdelay $0x3  }
0x36: {  	p1 =	seq.s32 s10, $0x1;
	s10 =	sld [smem:$0x3FB9];
	_ =	sdelay $0x3  }
0x37: {  	[smem:$0x3FB9] =	sst s10  }
0x38: {  	s10 =	sld [smem:$0x3FBA]  }
0x39: {  	_ = 	snop;
	(pc) =	sbr.ind lr, $3  }
0x3a: {  	_ = 	snop  }
0x3b: {  	_ = 	snop  }
0x3c: {  	p2 =	seq.s32 s10, $0x1;
	s10 =	sld [smem:$0x3FB9]  }
0x3d: {  	_ =	shalt  }
0x3e: {  	_ =	shalt  }
0x3f: {  	_ =	shalt  }
0x40: {  	_ =	shalt  }
0x41: {  	_ =	shalt  }
0x42: {  	_ =	shalt  }
0x43: {  	_ =	shalt  }
0x44: {  	_ =	shalt  }
0x45: {  	_ =	shalt  }
0x46: {  	_ =	shalt  }
0x47: {  	_ =	shalt  }
0x48: {  	_ =	shalt  }
0x49: {  	_ =	shalt  }
0x4a: {  	_ =	shalt  }
0x4b: {  	_ =	shalt  }
0x4c: {  	_ =	shalt  }
0x4d: {  	_ =	shalt  }
0x4e: {  	_ =	shalt  }
0x4f: {  	_ =	shalt  }
0x50: {  	_ =	shalt  }
0x51: {  	_ =	shalt  }
0x52: {  	_ =	shalt  }
0x53: {  	_ =	shalt  }
0x54: {  	_ =	shalt  }
0x55: {  	_ =	shalt  }
0x56: {  	_ =	shalt  }
0x57: {  	_ =	shalt  }
0x58: {  	_ =	shalt  }
0x59: {  	_ =	shalt  }
0x5a: {  	_ =	shalt  }
0x5b: {  	_ =	shalt  }
0x5c: {  	_ =	shalt  }
0x5d: {  	_ =	shalt  }
0x5e: {  	_ =	shalt  }
0x5f: {  	_ =	shalt  }
0x60: {  	_ =	shalt  }
0x61: {  	_ =	shalt  }
0x62: {  	_ =	shalt  }
0x63: {  	_ =	shalt  }
0x64: {  	_ =	shalt  }
0x65: {  	_ =	shalt  }
0x66: {  	_ =	shalt  }
0x67: {  	_ =	shalt  }
0x68: {  	_ =	shalt  }
0x69: {  	_ =	shalt  }
0x6a: {  	_ =	shalt  }
0x6b: {  	_ =	shalt  }
0x6c: {  	_ =	shalt  }
0x6d: {  	_ =	shalt  }
0x6e: {  	_ =	shalt  }
0x6f: {  	_ =	shalt  }
0x70: {  	_ =	shalt  }
0x71: {  	_ =	shalt  }
0x72: {  	_ =	shalt  }
0x73: {  	_ =	shalt  }
0x74: {  	_ =	shalt  }
0x75: {  	_ =	shalt  }
0x76: {  	_ =	shalt  }
0x77: {  	_ =	shalt  }
0x78: {  	_ =	shalt  }
0x79: {  	_ =	shalt  }
0x7a: {  	_ =	shalt  }
0x7b: {  	_ =	shalt  }
0x7c: {  	_ =	shalt  }
0x7d: {  	_ =	shalt  }
0x7e: {  	_ =	shalt  }
0x7f: {  	_ =	shalt  }
0x80: {  	_ =	shalt  }
0x81: {  	_ =	shalt  }
0x82: {  	_ =	shalt  }
0x83: {  	_ =	shalt  }
0x84: {  	_ =	shalt  }
0x85: {  	_ =	shalt  }
0x86: {  	_ =	shalt  }
0x87: {  	_ =	shalt  }
.Lfunc_end0:
.L_simem_size_0:
called_computation_lowered:
.L_overlay_start_0:
0x88: {  	s2 =	sld [smem:$0x3FD9]  }
0x89: {  	s3 =	sld [smem:$0x3FFE];
	_ =	sdelay $0x1  }
0x8a: {  	s1 =	srdreg.scid  }
0x8b: {  	s0 =	sand.u32 $0x1, s1  }
0x8c: {  	s14 =	sshll.u32 s0, $0xA;
	s2 =	sadd.s32 s3, s2  }
0x8d: {  	s2 =	sadd.s32 s2, s14  }
0x8e: {  	[smem:$0x3FC5] =	sst s2  }
0x8f: {  	_ = 	snop  }
0x90: {  	s2 =	sld [smem:$0x3FD0];
	_ =	sdelay $0x2  }
0x91: {  	s15 =	simm.s32 $0xA;
	s4 =	simm.s32 $0x10  }
0x92: {  	[smem:s4], [sflag:s15] =	dma.local [hbm:s2], $0x1  }
0x93: {  	_ =	swait.eq [sflag:s15], $0x1  }
0x94: {  	[sflag:s15] =	ssyncset.done $0x0  }
0x95: {  	s16 =	sld [smem:$0x10];
	[sflag:s15] =	ssyncadd.s32 $0xFFFFFFFF  }
0x96: {  	s17 =	sld [smem:$0x11];
	(tm) =	ssettm $0x1  }
0x97: {  	s18 =	sld [smem:$0x3FFB];
	_ =	sdelay $0x3  }
0x98: {  	_ =	strace s18  }
0x99: {  	s4 =	sld [smem:$0x3FFC];
	_ =	sdelay $0x3  }
0x9a: {  	_ =	strace s4  }
0x9b: {  	s4 =	sld [smem:$0x3FFD];
	_ =	sdelay $0x3  }
0x9c: {  	_ =	strace s4  }
0x9d: {  	_ =	strace $0x8FFFFFFF  }
0x9e: {  	s19 =	sld [smem:$0x3FDB];
	_ =	sdelay $0x1  }
0x9f: {  	s5 =	simm.s32 $_scs_section_size  }
0xa0: {  	s6 =	simm.s32 $_size__tile_overlayer_lowered;
	s7 =	simm.s32 $_tile_overlayer_lowered  }
0xa1: {  	s22 =	simm.s32 $0x1BFF;
	s21 =	sshll.u32 s7, $0x1;
	s4 =	sadd.s32 s5, s19  }
0xa2: {  	s8 =	simm.s32 $0x0;
	s20 =	sshll.u32 s6, $0x1;
	s6 =	sadd.s32 s21, s4  }
0xa3: {  	[timem:s8], [sflag:s22] =	dma.local [hbm:s6], s20  }
0xa4: {  	_ =	swait.ge [sflag:s22], s20  }
0xa5: {  	s5 =	ssub.s32 $0x0, s20;
	[sflag:s22] =	ssyncset.done $0x0  }
0xa6: {  	[sflag:s22] =	ssyncadd.s32 s5;
	_ =	sdelay $0x1  }
0xa7: {  	s23 =	simm.s32 $0x1B8B  }
0xa8: {  	_ =	swait.ge [sflag:s23], $0x1  }
0xa9: {  	[sflag:s23] =	ssyncset.done $0x0  }
0xaa: {  	s25 =	simm.s32 $0x1B8E;
	s24 =	sld [smem:$0x3FFE];
	[sflag:s23] =	ssyncadd.s32 $0xFFFFFFFF  }
0xab: {  	s26 =	simm.s32 $execute0_lowered;
	[smem:$0x3FD2] =	sst s25  }
0xac: {  	s6 =	sshll.u32 s26, $0x1;
	_ =	strace $0x80000046;
	[dreg:$0x1] =	wrdreg $0xFFFFFFFF  }
0xad: {  	s28 =	simm.s32 $_size_execute0_lowered;
	s4 =	sadd.s32 s4, s6;
	[dreg:$0x0] =	wrdreg $0x0  }
0xae: {  	s6 =	sshll.u32 s28, $0x1;
	[dreg:$0x2] =	wrdreg s4  }
0xaf: {  	[dreg:$0x3] =	wrdreg s6  }
0xb0: {  	[dreg:$0x4] =	wrdreg $0xC0  }
0xb1: {  	_ =	task [dreg:s8], $0x5FFFF  }
0xb2: {  	[dreg:$0x1] =	wrdreg $0xFFFFFFFF  }
0xb3: {  	[dreg:$0x0] =	wrdreg $0x60  }
0xb4: {  	[dreg:$0x2] =	wrdreg s24  }
0xb5: {  	[dreg:$0x3] =	wrdreg s16  }
0xb6: {  	[dreg:$0x4] =	wrdreg s17  }
0xb7: {  	[dreg:$0x5] =	wrdreg $0x9  }
0xb8: {  	_ =	task.clear_ibuf [dreg:s8], $0x6FFFF;
	_ =	strace $0x90000046  }
0xb9: {  	s29 =	simm.s32 $0x9;
	_ =	strace $0x80000048  }
0xba: {  	_ =	swait.ge [sflag:s29], $0x1  }
0xbb: {  	[sflag:s29] =	ssyncadd.s32 $0xFFFFFFFF  }
0xbc: {  	_ =	strace $0x90000048  }
0xbd: {  	_ =	sfence  }
0xbe: {  	s30 =	sld [smem:$0x0];
	_ =	sdelay $0x2  }
0xbf: {  	s31 =	sshll.u32 s1, $0xD;
	s1 =	sshrl.u32 s1, $0x2  }
0xc0: {  	s3 =	sand.u32 $0x4000, s31;
	s1 =	sadd.s32 s1, s30  }
0xc1: {  	s0 =	sor.u32 s3, s0;
	s1 =	sshll.u32 s1, $0x11  }
0xc2: {  	s0 =	sor.u32 s1, s0  }
0xc3: {  	s0 =	sadd.s32 $0x8F2B, s0  }
0xc4: {  	[sflag:s0] =	ssyncadd.remote.s32 $0x1  }
0xc5: {  	_ =	sfence.sel $0xFFFF  }
0xc6: {  	[dreg:$0x0] =	wrdreg $0xFFFFFFFF;
	(pc) =	sbr.abs _section_cstart, $3  }
0xc7: {  	[dreg:$0x1] =	wrdreg $0xFFFFFFFF  }
0xc8: {  	_ =	task.clear_ibuf [dreg:s8], $0x2FFFF;
	_ =	strace $0x9FFFFFFF  }
0xc9: {  	(tm) =	ssettm $0x7FFFFFFF  }
tec
execute0_lowered:
.L_overlay_start_1:
0x0: {  	(tag) =	ssettag $0x1  }
0x1: {  	s0 =	rddreg [dreg:$0x0]  }
0x2: {  	s3 =	rddreg [dreg:$0x1];
	s2 =	stileid.u32  }
0x3: {  	s4 =	rddreg [dreg:$0x2];
	s5 =	sshll.u32 s2, $0x9;
	s2 =	simm.s32 $0x0  }
0x4: {  	s21 =	simm.s32 $0x500;
	[smem:$0x7FF] =	sst s2  }
0x5: {  	s22 =	simm.s32 $0x4500;
	_ =	strace $0x80000047;
	[dreg:$0x7] =	wrdreg s21  }
0x6: {  	s23 =	simm.s32 $0x900;
	[dreg:$0x8] =	wrdreg s22  }
0x7: {  	s24 =	simm.s32 $0x4900;
	[dreg:$0x9] =	wrdreg s23  }
0x8: {  	s1 =	srdreg.scid;
	s25 =	simm.s32 $0xD00;
	[dreg:$0xa] =	wrdreg s24  }
0x9: {  	s26 =	simm.s32 $0x4D00;
	s7 =	simm.s32 $0x1500;
	[dreg:$0xb] =	wrdreg s25  }
0xa: {  	s10 =	simm.s32 $0x5500;
	s11 =	simm.s32 $0x1900;
	[dreg:$0xc] =	wrdreg s26  }
0xb: {  	s12 =	simm.s32 $0x5900;
	s13 =	simm.s32 $0x1D00;
	[dreg:$0xf] =	wrdreg s7  }
0xc: {  	s14 =	simm.s32 $0x5D00;
	s15 =	simm.s32 $0x2100;
	[dreg:$0x10] =	wrdreg s10  }
0xd: {  	s31 =	simm.s32 $0x20;
	s16 =	simm.s32 $0x6100;
	[dreg:$0x11] =	wrdreg s11  }
0xe: {  	s30 =	simm.s32 $0x30;
	s17 =	simm.s32 $0x2500;
	[dreg:$0x12] =	wrdreg s12  }
0xf: {  	s29 =	simm.s32 $0x40;
	s28 =	simm.s32 $0x50;
	[dreg:$0x13] =	wrdreg s13  }
0x10: {  	p0 =	por $0x0, $0x0;
	s1 =	sand.u32 $0x1, s1;
	[dreg:$0x14] =	wrdreg s14  }
0x11: {  	s8 =	sadd.s32 $0xC00, s0;
	s9 =	sadd.s32 $0x40C00, s0;
	[dreg:$0x15] =	wrdreg s15  }
0x12: {  	s6 =	sshll.u32 s1, $0x8;
	s1 =	ssub.s32 $0x2, s1;
	[dreg:$0x16] =	wrdreg s16  }
0x13: {  	s5 =	sor.u32 s6, s5;
	s10 =	simm.s32 $0x10;
	[dreg:$0x17] =	wrdreg s17  }
0x14: {  	s24 =	simm.s32 $0x60;
	s22 =	simm.s32 $0x70;
	s21 =	simm.s32 $0x2D00  }
0x15: {  	s23 =	simm.s32 $0x6D00;
	s25 =	simm.s32 $0x3100;
	s17 =	simm.s32 $0xA0  }
0x16: {  	s26 =	simm.s32 $0x7100;
	s14 =	simm.s32 $0xB0;
	s11 =	simm.s32 $0xC0  }
0x17: {  	s12 =	simm.s32 $0xD0;
	s13 =	simm.s32 $0xE0;
	[dreg:$0x1b] =	wrdreg s21  }
0x18: {  	s16 =	simm.s32 $0x7D00;
	s7 =	simm.s32 $0x1;
	[dreg:$0x1c] =	wrdreg s23  }
0x19: {  	s6 =	sshrl.u32 s5, $0x3;
	s5 =	sshll.u32 s5, $0x3;
	[dreg:$0x1d] =	wrdreg s25  }
0x1a: {  	[dreg:$0x1e] =	wrdreg s26;
	s23 =	simm.s32 $0x3900;
	s25 =	simm.s32 $0x7900  }
0x1b: {  	s21 =	simm.s32 $0xF0;
	s26 =	simm.s32 $0x3D00;
	s3 =	sadd.s32 s3, s6  }
0x1c: {  	s18 =	sadd.s32 s5, s0;
	s19 =	sadd.s32 s4, s5;
	[dreg:$0x4] =	wrdreg s3  }
0x1d: {  	s4 =	simm.s32 $0x1100;
	s6 =	sshrl.u32 s1, $0x1;
	[dreg:$0x5] =	wrdreg s19  }
0x1e: {  	s5 =	simm.s32 $0x5100;
	[dreg:$0xd] =	wrdreg s4;
	s1 =	ssub.s32 s1, s6  }
0x1f: {  	s20 =	sadd.s32 $0x80C00, s18;
	[dreg:$0xe] =	wrdreg s5;
	s1 =	smax.u32 s1, $0x1  }
0x20: {  	s3 =	simm.s32 $0x3;
	s5 =	simm.s32 $0x100;
	p1 =	sne.s32 s1, $0x1  }
.Ltmp0:
0x21: {  	s18 =	simm.s32 $0x6500;
	[dreg:$0x6] =	wrdreg s20;
	(pc) =	sbr.rel @!p1 .LBB2_1-.Ltmp0, $4  }
0x22: {  	s4 =	simm.s32 $0x4100;
	s19 =	simm.s32 $0x2900;
	[dreg:$0x18] =	wrdreg s18  }
0x23: {  	s6 =	simm.s32 $0x2;
	[dreg:$0x19] =	wrdreg s19;
	s20 =	simm.s32 $0x6900  }
0x24: {  	s19 =	simm.s32 $0x90;
	s18 =	simm.s32 $0x7500;
	s0 =	rddreg [dreg:$0x4]  }
0x25: {  	[dreg:$0x1a] =	wrdreg s20;
	s20 =	simm.s32 $0x80;
	s15 =	sadd.s32 $0xFFFFFFFF, s1  }
0x26: {  	[tilespmem:s2], [sflag:$0x3] =	stream.linear.gather [hbm4b:s0+s2], $0x100, $0x38;
	[tilespmem:$0x8100] =	vst v63  }
0x27: {  	_ =	swait.ge [sflag:s3], $0x100  }
0x28: {  	[sflag:s3] =	ssyncset.done $0x0  }
0x29: {  	[sflag:s3] =	ssyncadd.s32 $0xFFFFFF00  }
0x2a: {  	[tilespmem:s5], [sflag:$0x1] =	stream.indirect.gather [hbm4b:s8+s10], $0x40, s2, s10, $0xb8;
	[tilespmem:$0x8100] =	vst v63  }
0x2b: {  	_ = 	snop  }
0x2c: {  	[tilespmem:s4], [sflag:$0x2] =	stream.indirect.gather [hbm4b:s9+s10], $0x40, s2, s10, $0xb8;
	[tilespmem:$0x8100] =	vst v63  }
0x2d: {  	s0 =	rddreg [dreg:$0x7]  }
0x2e: {  	[tilespmem:s0], [sflag:$0x1] =	stream.indirect.gather [hbm4b:s8+s10], $0x40, s10, s10, $0xb8;
	[tilespmem:$0x8100] =	vst v63  }
0x2f: {  	s1 =	rddreg [dreg:$0x8]  }
0x30: {  	[tilespmem:s1], [sflag:$0x2] =	stream.indirect.gather [hbm4b:s9+s10], $0x40, s10, s10, $0xb8;
	[tilespmem:$0x8100] =	vst v63  }
0x31: {  	s0 =	rddreg [dreg:$0x9]  }
0x32: {  	[tilespmem:s0], [sflag:$0x1] =	stream.indirect.gather [hbm4b:s8+s10], $0x40, s31, s10, $0xb8;
	[tilespmem:$0x8100] =	vst v63  }
0x33: {  	s1 =	rddreg [dreg:$0xa]  }
0x34: {  	[tilespmem:s1], [sflag:$0x2] =	stream.indirect.gather [hbm4b:s9+s10], $0x40, s31, s10, $0xb8;
	[tilespmem:$0x8100] =	vst v63  }
0x35: {  	s0 =	rddreg [dreg:$0xb]  }
0x36: {  	[tilespmem:s0], [sflag:$0x1] =	stream.indirect.gather [hbm4b:s8+s10], $0x40, s30, s10, $0xb8;
	[tilespmem:$0x8100] =	vst v63  }
0x37: {  	s1 =	rddreg [dreg:$0xc]  }
0x38: {  	[tilespmem:s1], [sflag:$0x2] =	stream.indirect.gather [hbm4b:s9+s10], $0x40, s30, s10, $0xb8;
	[tilespmem:$0x8100] =	vst v63  }
0x39: {  	s0 =	rddreg [dreg:$0xd]  }
0x3a: {  	[tilespmem:s0], [sflag:$0x1] =	stream.indirect.gather [hbm4b:s8+s10], $0x40, s29, s10, $0xb8;
	[tilespmem:$0x8100] =	vst v63  }
0x3b: {  	s1 =	rddreg [dreg:$0xe]  }
0x3c: {  	[tilespmem:s1], [sflag:$0x2] =	stream.indirect.gather [hbm4b:s9+s10], $0x40, s29, s10, $0xb8;
	[tilespmem:$0x8100] =	vst v63  }
0x3d: {  	s0 =	rddreg [dreg:$0xf]  }
0x3e: {  	[tilespmem:s0], [sflag:$0x1] =	stream.indirect.gather [hbm4b:s8+s10], $0x40, s28, s10, $0xb8;
	[tilespmem:$0x8100] =	vst v63  }
0x3f: {  	s1 =	rddreg [dreg:$0x10]  }
0x40: {  	[tilespmem:s1], [sflag:$0x2] =	stream.indirect.gather [hbm4b:s9+s10], $0x40, s28, s10, $0xb8;
	[tilespmem:$0x8100] =	vst v63  }
0x41: {  	s0 =	rddreg [dreg:$0x11]  }
0x42: {  	[tilespmem:s0], [sflag:$0x1] =	stream.indirect.gather [hbm4b:s8+s10], $0x40, s24, s10, $0xb8;
	[tilespmem:$0x8100] =	vst v63  }
0x43: {  	s1 =	rddreg [dreg:$0x12]  }
0x44: {  	[tilespmem:s1], [sflag:$0x2] =	stream.indirect.gather [hbm4b:s9+s10], $0x40, s24, s10, $0xb8;
	[tilespmem:$0x8100] =	vst v63  }
0x45: {  	s0 =	rddreg [dreg:$0x13]  }
0x46: {  	[tilespmem:s0], [sflag:$0x1] =	stream.indirect.gather [hbm4b:s8+s10], $0x40, s22, s10, $0xb8;
	[tilespmem:$0x8100] =	vst v63  }
0x47: {  	s1 =	rddreg [dreg:$0x14]  }
0x48: {  	[tilespmem:s1], [sflag:$0x2] =	stream.indirect.gather [hbm4b:s9+s10], $0x40, s22, s10, $0xb8;
	[tilespmem:$0x8100] =	vst v63  }
0x49: {  	s0 =	rddreg [dreg:$0x15]  }
0x4a: {  	[tilespmem:s0], [sflag:$0x1] =	stream.indirect.gather [hbm4b:s8+s10], $0x40, s20, s10, $0xb8;
	[tilespmem:$0x8100] =	vst v63  }
0x4b: {  	s1 =	rddreg [dreg:$0x16]  }
0x4c: {  	[tilespmem:s1], [sflag:$0x2] =	stream.indirect.gather [hbm4b:s9+s10], $0x40, s20, s10, $0xb8;
	[tilespmem:$0x8100] =	vst v63  }
0x4d: {  	s0 =	rddreg [dreg:$0x17]  }
0x4e: {  	[tilespmem:s0], [sflag:$0x1] =	stream.indirect.gather [hbm4b:s8+s10], $0x40, s19, s10, $0xb8;
	[tilespmem:$0x8100] =	vst v63  }
0x4f: {  	s1 =	rddreg [dreg:$0x18]  }
0x50: {  	[tilespmem:s1], [sflag:$0x2] =	stream.indirect.gather [hbm4b:s9+s10], $0x40, s19, s10, $0xb8;
	[tilespmem:$0x8100] =	vst v63  }
0x51: {  	s0 =	rddreg [dreg:$0x19]  }
0x52: {  	[tilespmem:s0], [sflag:$0x1] =	stream.indirect.gather [hbm4b:s8+s10], $0x40, s17, s10, $0xb8;
	[tilespmem:$0x8100] =	vst v63  }
0x53: {  	s1 =	rddreg [dreg:$0x1a]  }
0x54: {  	[tilespmem:s1], [sflag:$0x2] =	stream.indirect.gather [hbm4b:s9+s10], $0x40, s17, s10, $0xb8;
	[tilespmem:$0x8100] =	vst v63  }
0x55: {  	s0 =	rddreg [dreg:$0x1b]  }
0x56: {  	[tilespmem:s0], [sflag:$0x1] =	stream.indirect.gather [hbm4b:s8+s10], $0x40, s14, s10, $0xb8;
	[tilespmem:$0x8100] =	vst v63  }
0x57: {  	s1 =	rddreg [dreg:$0x1c]  }
0x58: {  	[tilespmem:s1], [sflag:$0x2] =	stream.indirect.gather [hbm4b:s9+s10], $0x40, s14, s10, $0xb8;
	[tilespmem:$0x8100] =	vst v63  }
0x59: {  	s0 =	rddreg [dreg:$0x1d]  }
0x5a: {  	[tilespmem:s0], [sflag:$0x1] =	stream.indirect.gather [hbm4b:s8+s10], $0x40, s11, s10, $0xb8;
	[tilespmem:$0x8100] =	vst v63  }
0x5b: {  	s1 =	rddreg [dreg:$0x1e]  }
0x5c: {  	[tilespmem:s1], [sflag:$0x2] =	stream.indirect.gather [hbm4b:s9+s10], $0x40, s11, s10, $0xb8;
	[tilespmem:$0x8100] =	vst v63  }
0x5d: {  	s1 =	simm.s32 $0x3500  }
0x5e: {  	[tilespmem:s1], [sflag:$0x1] =	stream.indirect.gather [hbm4b:s8+s10], $0x40, s12, s10, $0xb8;
	[tilespmem:$0x8100] =	vst v63  }
0x5f: {  	_ = 	snop  }
0x60: {  	[tilespmem:s18], [sflag:$0x2] =	stream.indirect.gather [hbm4b:s9+s10], $0x40, s12, s10, $0xb8;
	[tilespmem:$0x8100] =	vst v63  }
0x61: {  	_ = 	snop  }
0x62: {  	[tilespmem:s23], [sflag:$0x1] =	stream.indirect.gather [hbm4b:s8+s10], $0x40, s13, s10, $0xb8;
	[tilespmem:$0x8100] =	vst v63  }
0x63: {  	_ = 	snop  }
0x64: {  	[tilespmem:s25], [sflag:$0x2] =	stream.indirect.gather [hbm4b:s9+s10], $0x40, s13, s10, $0xb8;
	[tilespmem:$0x8100] =	vst v63  }
0x65: {  	_ = 	snop  }
0x66: {  	[tilespmem:s26], [sflag:$0x1] =	stream.indirect.gather [hbm4b:s8+s10], $0x40, s21, s10, $0xb8;
	[tilespmem:$0x8100] =	vst v63  }
0x67: {  	_ = 	snop  }
0x68: {  	[tilespmem:s16], [sflag:$0x2] =	stream.indirect.gather [hbm4b:s9+s10], $0x40, s21, s10, $0xb8;
	[tilespmem:$0x8100] =	vst v63  }
0x69: {  	_ =	swait.ge [sflag:s7], $0x400  }
0x6a: {  	[sflag:s7] =	ssyncset.done $0x0  }
0x6b: {  	[sflag:s7] =	ssyncadd.s32 $0xFFFFFC00  }
0x6c: {  	_ =	swait.ge [sflag:s6], $0x400  }
0x6d: {  	[sflag:s6] =	ssyncset.done $0x0  }
0x6e: {  	[sflag:s6] =	ssyncadd.s32 $0xFFFFFC00  }
0x6f: {  	_ =	swait.ge [sflag:s7], $0x400  }
0x70: {  	[sflag:s7] =	ssyncset.done $0x0  }
0x71: {  	[sflag:s7] =	ssyncadd.s32 $0xFFFFFC00  }
0x72: {  	_ =	swait.ge [sflag:s6], $0x400  }
0x73: {  	[sflag:s6] =	ssyncset.done $0x0  }
0x74: {  	[sflag:s6] =	ssyncadd.s32 $0xFFFFFC00  }
0x75: {  	_ =	swait.ge [sflag:s7], $0x400  }
0x76: {  	[sflag:s7] =	ssyncset.done $0x0  }
0x77: {  	[sflag:s7] =	ssyncadd.s32 $0xFFFFFC00  }
0x78: {  	_ =	swait.ge [sflag:s6], $0x400  }
0x79: {  	[sflag:s6] =	ssyncset.done $0x0  }
0x7a: {  	[sflag:s6] =	ssyncadd.s32 $0xFFFFFC00  }
0x7b: {  	_ =	swait.ge [sflag:s7], $0x400  }
0x7c: {  	[sflag:s7] =	ssyncset.done $0x0  }
0x7d: {  	[sflag:s7] =	ssyncadd.s32 $0xFFFFFC00  }
0x7e: {  	_ =	swait.ge [sflag:s6], $0x400  }
0x7f: {  	[sflag:s6] =	ssyncset.done $0x0  }
0x80: {  	[sflag:s6] =	ssyncadd.s32 $0xFFFFFC00  }
0x81: {  	_ =	swait.ge [sflag:s7], $0x400  }
0x82: {  	[sflag:s7] =	ssyncset.done $0x0  }
0x83: {  	[sflag:s7] =	ssyncadd.s32 $0xFFFFFC00  }
0x84: {  	_ =	swait.ge [sflag:s6], $0x400  }
0x85: {  	[sflag:s6] =	ssyncset.done $0x0  }
0x86: {  	[sflag:s6] =	ssyncadd.s32 $0xFFFFFC00  }
0x87: {  	_ =	swait.ge [sflag:s7], $0x400  }
0x88: {  	[sflag:s7] =	ssyncset.done $0x0  }
0x89: {  	[sflag:s7] =	ssyncadd.s32 $0xFFFFFC00  }
0x8a: {  	_ =	swait.ge [sflag:s6], $0x400  }
0x8b: {  	[sflag:s6] =	ssyncset.done $0x0  }
0x8c: {  	[sflag:s6] =	ssyncadd.s32 $0xFFFFFC00  }
0x8d: {  	_ =	swait.ge [sflag:s7], $0x400  }
0x8e: {  	[sflag:s7] =	ssyncset.done $0x0  }
0x8f: {  	[sflag:s7] =	ssyncadd.s32 $0xFFFFFC00  }
0x90: {  	_ =	swait.ge [sflag:s6], $0x400  }
0x91: {  	[sflag:s6] =	ssyncset.done $0x0  }
0x92: {  	[sflag:s6] =	ssyncadd.s32 $0xFFFFFC00  }
0x93: {  	_ =	swait.ge [sflag:s7], $0x400  }
0x94: {  	[sflag:s7] =	ssyncset.done $0x0  }
0x95: {  	[sflag:s7] =	ssyncadd.s32 $0xFFFFFC00  }
0x96: {  	_ =	swait.ge [sflag:s6], $0x400  }
0x97: {  	[sflag:s6] =	ssyncset.done $0x0  }
0x98: {  	[sflag:s6] =	ssyncadd.s32 $0xFFFFFC00  }
0x99: {  	_ =	swait.ge [sflag:s7], $0x400  }
0x9a: {  	[sflag:s7] =	ssyncset.done $0x0  }
0x9b: {  	[sflag:s7] =	ssyncadd.s32 $0xFFFFFC00  }
0x9c: {  	_ =	swait.ge [sflag:s6], $0x400  }
0x9d: {  	[sflag:s6] =	ssyncset.done $0x0  }
0x9e: {  	[sflag:s6] =	ssyncadd.s32 $0xFFFFFC00  }
0x9f: {  	_ =	swait.ge [sflag:s7], $0x400  }
0xa0: {  	[sflag:s7] =	ssyncset.done $0x0  }
0xa1: {  	[sflag:s7] =	ssyncadd.s32 $0xFFFFFC00  }
0xa2: {  	_ =	swait.ge [sflag:s6], $0x400  }
0xa3: {  	[sflag:s6] =	ssyncset.done $0x0  }
0xa4: {  	[sflag:s6] =	ssyncadd.s32 $0xFFFFFC00  }
0xa5: {  	_ =	swait.ge [sflag:s7], $0x400  }
0xa6: {  	[sflag:s7] =	ssyncset.done $0x0  }
0xa7: {  	[sflag:s7] =	ssyncadd.s32 $0xFFFFFC00  }
0xa8: {  	_ =	swait.ge [sflag:s6], $0x400  }
0xa9: {  	[sflag:s6] =	ssyncset.done $0x0  }
0xaa: {  	[sflag:s6] =	ssyncadd.s32 $0xFFFFFC00  }
0xab: {  	_ =	swait.ge [sflag:s7], $0x400  }
0xac: {  	[sflag:s7] =	ssyncset.done $0x0  }
0xad: {  	[sflag:s7] =	ssyncadd.s32 $0xFFFFFC00  }
0xae: {  	_ =	swait.ge [sflag:s6], $0x400  }
0xaf: {  	[sflag:s6] =	ssyncset.done $0x0  }
0xb0: {  	[sflag:s6] =	ssyncadd.s32 $0xFFFFFC00  }
0xb1: {  	_ =	swait.ge [sflag:s7], $0x400  }
0xb2: {  	[sflag:s7] =	ssyncset.done $0x0  }
0xb3: {  	[sflag:s7] =	ssyncadd.s32 $0xFFFFFC00  }
0xb4: {  	_ =	swait.ge [sflag:s6], $0x400  }
0xb5: {  	[sflag:s6] =	ssyncset.done $0x0  }
0xb6: {  	[sflag:s6] =	ssyncadd.s32 $0xFFFFFC00  }
0xb7: {  	_ =	swait.ge [sflag:s7], $0x400  }
0xb8: {  	[sflag:s7] =	ssyncset.done $0x0  }
0xb9: {  	[sflag:s7] =	ssyncadd.s32 $0xFFFFFC00  }
0xba: {  	_ =	swait.ge [sflag:s6], $0x400  }
0xbb: {  	[sflag:s6] =	ssyncset.done $0x0  }
0xbc: {  	[sflag:s6] =	ssyncadd.s32 $0xFFFFFC00  }
0xbd: {  	_ =	swait.ge [sflag:s7], $0x400  }
0xbe: {  	[sflag:s7] =	ssyncset.done $0x0  }
0xbf: {  	[sflag:s7] =	ssyncadd.s32 $0xFFFFFC00  }
0xc0: {  	_ =	swait.ge [sflag:s6], $0x400  }
0xc1: {  	[sflag:s6] =	ssyncset.done $0x0  }
0xc2: {  	[sflag:s6] =	ssyncadd.s32 $0xFFFFFC00  }
0xc3: {  	_ =	swait.ge [sflag:s7], $0x400  }
0xc4: {  	[sflag:s7] =	ssyncset.done $0x0  }
0xc5: {  	[sflag:s7] =	ssyncadd.s32 $0xFFFFFC00  }
0xc6: {  	_ =	swait.ge [sflag:s6], $0x400  }
0xc7: {  	[sflag:s6] =	ssyncset.done $0x0  }
0xc8: {  	s1 =	rddreg [dreg:$0x5];
	[sflag:s6] =	ssyncadd.s32 $0xFFFFFC00  }
0xc9: {  	[hbm4b:s1+s2] =	stream.linear.scatter [tilespmem:s5], [sflag:$0x3], $0x4000, $0x38;
	[tilespmem:$0x8100] =	vst v63  }
0xca: {  	p1 =	sne.s32 s15, $0x1;
	_ =	swait.ge [sflag:s3], $0x4000  }
.Ltmp1:
0xcb: {  	[sflag:s3] =	ssyncset.done $0x0;
	(pc) =	sbr.rel @!p1 .LBB2_3-.Ltmp1, $4  }
0xcc: {  	s1 =	rddreg [dreg:$0x6];
	[sflag:s3] =	ssyncadd.s32 $0xFFFFC000  }
0xcd: {  	[hbm4b:s1+s2] =	stream.linear.scatter [tilespmem:s4], [sflag:$0x3], $0x4000, $0x38;
	[tilespmem:$0x8100] =	vst v63  }
0xce: {  	p0 =	por $0x1, $0x1;
	_ =	swait.ge [sflag:s3], $0x4000  }
0xcf: {  	s1 =	sadd.s32 $0xFFFFFFFF, s15;
	s0 =	rddreg [dreg:$0x4];
	[sflag:s3] =	ssyncset.done $0x0  }
.LBB2_4:
0xd0: {  	[sflag:s3] =	ssyncadd.s32 $0xFFFFC000  }
0xd1: {  	[tilespmem:s2], [sflag:$0x3] =	stream.linear.gather [hbm4b:s0+s2], $0x100, $0x38;
	[tilespmem:$0x8100] =	vst v63  }
0xd2: {  	_ =	swait.ge [sflag:s3], $0x100  }
0xd3: {  	[sflag:s3] =	ssyncset.done $0x0  }
0xd4: {  	[sflag:s3] =	ssyncadd.s32 $0xFFFFFF00  }
0xd5: {  	[tilespmem:s5], [sflag:$0x1] =	stream.indirect.gather [hbm4b:s8+s10], $0x40, s2, s10, $0xb8;
	[tilespmem:$0x8100] =	vst v63  }
0xd6: {  	_ = 	snop  }
0xd7: {  	[tilespmem:s4], [sflag:$0x2] =	stream.indirect.gather [hbm4b:s9+s10], $0x40, s2, s10, $0xb8;
	[tilespmem:$0x8100] =	vst v63  }
0xd8: {  	s0 =	rddreg [dreg:$0x7]  }
0xd9: {  	[tilespmem:s0], [sflag:$0x1] =	stream.indirect.gather [hbm4b:s8+s10], $0x40, s10, s10, $0xb8;
	[tilespmem:$0x8100] =	vst v63  }
0xda: {  	s15 =	rddreg [dreg:$0x8]  }
0xdb: {  	[tilespmem:s15], [sflag:$0x2] =	stream.indirect.gather [hbm4b:s9+s10], $0x40, s10, s10, $0xb8;
	[tilespmem:$0x8100] =	vst v63  }
0xdc: {  	s0 =	rddreg [dreg:$0x9]  }
0xdd: {  	[tilespmem:s0], [sflag:$0x1] =	stream.indirect.gather [hbm4b:s8+s10], $0x40, s31, s10, $0xb8;
	[tilespmem:$0x8100] =	vst v63  }
0xde: {  	s15 =	rddreg [dreg:$0xa]  }
0xdf: {  	[tilespmem:s15], [sflag:$0x2] =	stream.indirect.gather [hbm4b:s9+s10], $0x40, s31, s10, $0xb8;
	[tilespmem:$0x8100] =	vst v63  }
0xe0: {  	s0 =	rddreg [dreg:$0xb]  }
0xe1: {  	[tilespmem:s0], [sflag:$0x1] =	stream.indirect.gather [hbm4b:s8+s10], $0x40, s30, s10, $0xb8;
	[tilespmem:$0x8100] =	vst v63  }
0xe2: {  	s15 =	rddreg [dreg:$0xc]  }
0xe3: {  	[tilespmem:s15], [sflag:$0x2] =	stream.indirect.gather [hbm4b:s9+s10], $0x40, s30, s10, $0xb8;
	[tilespmem:$0x8100] =	vst v63  }
0xe4: {  	s0 =	rddreg [dreg:$0xd]  }
0xe5: {  	[tilespmem:s0], [sflag:$0x1] =	stream.indirect.gather [hbm4b:s8+s10], $0x40, s29, s10, $0xb8;
	[tilespmem:$0x8100] =	vst v63  }
0xe6: {  	s15 =	rddreg [dreg:$0xe]  }
0xe7: {  	[tilespmem:s15], [sflag:$0x2] =	stream.indirect.gather [hbm4b:s9+s10], $0x40, s29, s10, $0xb8;
	[tilespmem:$0x8100] =	vst v63  }
0xe8: {  	s0 =	rddreg [dreg:$0xf]  }
0xe9: {  	[tilespmem:s0], [sflag:$0x1] =	stream.indirect.gather [hbm4b:s8+s10], $0x40, s28, s10, $0xb8;
	[tilespmem:$0x8100] =	vst v63  }
0xea: {  	s15 =	rddreg [dreg:$0x10]  }
0xeb: {  	[tilespmem:s15], [sflag:$0x2] =	stream.indirect.gather [hbm4b:s9+s10], $0x40, s28, s10, $0xb8;
	[tilespmem:$0x8100] =	vst v63  }
0xec: {  	s0 =	rddreg [dreg:$0x11]  }
0xed: {  	[tilespmem:s0], [sflag:$0x1] =	stream.indirect.gather [hbm4b:s8+s10], $0x40, s24, s10, $0xb8;
	[tilespmem:$0x8100] =	vst v63  }
0xee: {  	s15 =	rddreg [dreg:$0x12]  }
0xef: {  	[tilespmem:s15], [sflag:$0x2] =	stream.indirect.gather [hbm4b:s9+s10], $0x40, s24, s10, $0xb8;
	[tilespmem:$0x8100] =	vst v63  }
0xf0: {  	s0 =	rddreg [dreg:$0x13]  }
0xf1: {  	[tilespmem:s0], [sflag:$0x1] =	stream.indirect.gather [hbm4b:s8+s10], $0x40, s22, s10, $0xb8;
	[tilespmem:$0x8100] =	vst v63  }
0xf2: {  	s15 =	rddreg [dreg:$0x14]  }
0xf3: {  	[tilespmem:s15], [sflag:$0x2] =	stream.indirect.gather [hbm4b:s9+s10], $0x40, s22, s10, $0xb8;
	[tilespmem:$0x8100] =	vst v63  }
0xf4: {  	s0 =	rddreg [dreg:$0x15]  }
0xf5: {  	[tilespmem:s0], [sflag:$0x1] =	stream.indirect.gather [hbm4b:s8+s10], $0x40, s20, s10, $0xb8;
	[tilespmem:$0x8100] =	vst v63  }
0xf6: {  	s15 =	rddreg [dreg:$0x16]  }
0xf7: {  	[tilespmem:s15], [sflag:$0x2] =	stream.indirect.gather [hbm4b:s9+s10], $0x40, s20, s10, $0xb8;
	[tilespmem:$0x8100] =	vst v63  }
0xf8: {  	s0 =	rddreg [dreg:$0x17]  }
0xf9: {  	[tilespmem:s0], [sflag:$0x1] =	stream.indirect.gather [hbm4b:s8+s10], $0x40, s19, s10, $0xb8;
	[tilespmem:$0x8100] =	vst v63  }
0xfa: {  	s15 =	rddreg [dreg:$0x18]  }
0xfb: {  	[tilespmem:s15], [sflag:$0x2] =	stream.indirect.gather [hbm4b:s9+s10], $0x40, s19, s10, $0xb8;
	[tilespmem:$0x8100] =	vst v63  }
0xfc: {  	s0 =	rddreg [dreg:$0x19]  }
0xfd: {  	[tilespmem:s0], [sflag:$0x1] =	stream.indirect.gather [hbm4b:s8+s10], $0x40, s17, s10, $0xb8;
	[tilespmem:$0x8100] =	vst v63  }
0xfe: {  	s15 =	rddreg [dreg:$0x1a]  }
0xff: {  	[tilespmem:s15], [sflag:$0x2] =	stream.indirect.gather [hbm4b:s9+s10], $0x40, s17, s10, $0xb8;
	[tilespmem:$0x8100] =	vst v63  }
0x100: {  	s0 =	rddreg [dreg:$0x1b]  }
0x101: {  	[tilespmem:s0], [sflag:$0x1] =	stream.indirect.gather [hbm4b:s8+s10], $0x40, s14, s10, $0xb8;
	[tilespmem:$0x8100] =	vst v63  }
0x102: {  	s15 =	rddreg [dreg:$0x1c]  }
0x103: {  	[tilespmem:s15], [sflag:$0x2] =	stream.indirect.gather [hbm4b:s9+s10], $0x40, s14, s10, $0xb8;
	[tilespmem:$0x8100] =	vst v63  }
0x104: {  	s0 =	rddreg [dreg:$0x1d]  }
0x105: {  	[tilespmem:s0], [sflag:$0x1] =	stream.indirect.gather [hbm4b:s8+s10], $0x40, s11, s10, $0xb8;
	[tilespmem:$0x8100] =	vst v63  }
0x106: {  	s15 =	rddreg [dreg:$0x1e]  }
0x107: {  	[tilespmem:s15], [sflag:$0x2] =	stream.indirect.gather [hbm4b:s9+s10], $0x40, s11, s10, $0xb8;
	[tilespmem:$0x8100] =	vst v63  }
0x108: {  	s15 =	simm.s32 $0x3500  }
0x109: {  	[tilespmem:s15], [sflag:$0x1] =	stream.indirect.gather [hbm4b:s8+s10], $0x40, s12, s10, $0xb8;
	[tilespmem:$0x8100] =	vst v63  }
0x10a: {  	_ = 	snop  }
0x10b: {  	[tilespmem:s18], [sflag:$0x2] =	stream.indirect.gather [hbm4b:s9+s10], $0x40, s12, s10, $0xb8;
	[tilespmem:$0x8100] =	vst v63  }
0x10c: {  	_ = 	snop  }
0x10d: {  	[tilespmem:s23], [sflag:$0x1] =	stream.indirect.gather [hbm4b:s8+s10], $0x40, s13, s10, $0xb8;
	[tilespmem:$0x8100] =	vst v63  }
0x10e: {  	_ = 	snop  }
0x10f: {  	[tilespmem:s25], [sflag:$0x2] =	stream.indirect.gather [hbm4b:s9+s10], $0x40, s13, s10, $0xb8;
	[tilespmem:$0x8100] =	vst v63  }
0x110: {  	_ = 	snop  }
0x111: {  	[tilespmem:s26], [sflag:$0x1] =	stream.indirect.gather [hbm4b:s8+s10], $0x40, s21, s10, $0xb8;
	[tilespmem:$0x8100] =	vst v63  }
0x112: {  	_ = 	snop  }
0x113: {  	[tilespmem:s16], [sflag:$0x2] =	stream.indirect.gather [hbm4b:s9+s10], $0x40, s21, s10, $0xb8;
	[tilespmem:$0x8100] =	vst v63  }
0x114: {  	_ =	swait.ge [sflag:s7], $0x400  }
0x115: {  	[sflag:s7] =	ssyncset.done $0x0  }
0x116: {  	[sflag:s7] =	ssyncadd.s32 $0xFFFFFC00  }
0x117: {  	_ =	swait.ge [sflag:s6], $0x400  }
0x118: {  	[sflag:s6] =	ssyncset.done $0x0  }
0x119: {  	[sflag:s6] =	ssyncadd.s32 $0xFFFFFC00  }
0x11a: {  	_ =	swait.ge [sflag:s7], $0x400  }
0x11b: {  	[sflag:s7] =	ssyncset.done $0x0  }
0x11c: {  	[sflag:s7] =	ssyncadd.s32 $0xFFFFFC00  }
0x11d: {  	_ =	swait.ge [sflag:s6], $0x400  }
0x11e: {  	[sflag:s6] =	ssyncset.done $0x0  }
0x11f: {  	[sflag:s6] =	ssyncadd.s32 $0xFFFFFC00  }
0x120: {  	_ =	swait.ge [sflag:s7], $0x400  }
0x121: {  	[sflag:s7] =	ssyncset.done $0x0  }
0x122: {  	[sflag:s7] =	ssyncadd.s32 $0xFFFFFC00  }
0x123: {  	_ =	swait.ge [sflag:s6], $0x400  }
0x124: {  	[sflag:s6] =	ssyncset.done $0x0  }
0x125: {  	[sflag:s6] =	ssyncadd.s32 $0xFFFFFC00  }
0x126: {  	_ =	swait.ge [sflag:s7], $0x400  }
0x127: {  	[sflag:s7] =	ssyncset.done $0x0  }
0x128: {  	[sflag:s7] =	ssyncadd.s32 $0xFFFFFC00  }
0x129: {  	_ =	swait.ge [sflag:s6], $0x400  }
0x12a: {  	[sflag:s6] =	ssyncset.done $0x0  }
0x12b: {  	[sflag:s6] =	ssyncadd.s32 $0xFFFFFC00  }
0x12c: {  	_ =	swait.ge [sflag:s7], $0x400  }
0x12d: {  	[sflag:s7] =	ssyncset.done $0x0  }
0x12e: {  	[sflag:s7] =	ssyncadd.s32 $0xFFFFFC00  }
0x12f: {  	_ =	swait.ge [sflag:s6], $0x400  }
0x130: {  	[sflag:s6] =	ssyncset.done $0x0  }
0x131: {  	[sflag:s6] =	ssyncadd.s32 $0xFFFFFC00  }
0x132: {  	_ =	swait.ge [sflag:s7], $0x400  }
0x133: {  	[sflag:s7] =	ssyncset.done $0x0  }
0x134: {  	[sflag:s7] =	ssyncadd.s32 $0xFFFFFC00  }
0x135: {  	_ =	swait.ge [sflag:s6], $0x400  }
0x136: {  	[sflag:s6] =	ssyncset.done $0x0  }
0x137: {  	[sflag:s6] =	ssyncadd.s32 $0xFFFFFC00  }
0x138: {  	_ =	swait.ge [sflag:s7], $0x400  }
0x139: {  	[sflag:s7] =	ssyncset.done $0x0  }
0x13a: {  	[sflag:s7] =	ssyncadd.s32 $0xFFFFFC00  }
0x13b: {  	_ =	swait.ge [sflag:s6], $0x400  }
0x13c: {  	[sflag:s6] =	ssyncset.done $0x0  }
0x13d: {  	[sflag:s6] =	ssyncadd.s32 $0xFFFFFC00  }
0x13e: {  	_ =	swait.ge [sflag:s7], $0x400  }
0x13f: {  	[sflag:s7] =	ssyncset.done $0x0  }
0x140: {  	[sflag:s7] =	ssyncadd.s32 $0xFFFFFC00  }
0x141: {  	_ =	swait.ge [sflag:s6], $0x400  }
0x142: {  	[sflag:s6] =	ssyncset.done $0x0  }
0x143: {  	[sflag:s6] =	ssyncadd.s32 $0xFFFFFC00  }
0x144: {  	_ =	swait.ge [sflag:s7], $0x400  }
0x145: {  	[sflag:s7] =	ssyncset.done $0x0  }
0x146: {  	[sflag:s7] =	ssyncadd.s32 $0xFFFFFC00  }
0x147: {  	_ =	swait.ge [sflag:s6], $0x400  }
0x148: {  	[sflag:s6] =	ssyncset.done $0x0  }
0x149: {  	[sflag:s6] =	ssyncadd.s32 $0xFFFFFC00  }
0x14a: {  	_ =	swait.ge [sflag:s7], $0x400  }
0x14b: {  	[sflag:s7] =	ssyncset.done $0x0  }
0x14c: {  	[sflag:s7] =	ssyncadd.s32 $0xFFFFFC00  }
0x14d: {  	_ =	swait.ge [sflag:s6], $0x400  }
0x14e: {  	[sflag:s6] =	ssyncset.done $0x0  }
0x14f: {  	[sflag:s6] =	ssyncadd.s32 $0xFFFFFC00  }
0x150: {  	_ =	swait.ge [sflag:s7], $0x400  }
0x151: {  	[sflag:s7] =	ssyncset.done $0x0  }
0x152: {  	[sflag:s7] =	ssyncadd.s32 $0xFFFFFC00  }
0x153: {  	_ =	swait.ge [sflag:s6], $0x400  }
0x154: {  	[sflag:s6] =	ssyncset.done $0x0  }
0x155: {  	[sflag:s6] =	ssyncadd.s32 $0xFFFFFC00  }
0x156: {  	_ =	swait.ge [sflag:s7], $0x400  }
0x157: {  	[sflag:s7] =	ssyncset.done $0x0  }
0x158: {  	[sflag:s7] =	ssyncadd.s32 $0xFFFFFC00  }
0x159: {  	_ =	swait.ge [sflag:s6], $0x400  }
0x15a: {  	[sflag:s6] =	ssyncset.done $0x0  }
0x15b: {  	[sflag:s6] =	ssyncadd.s32 $0xFFFFFC00  }
0x15c: {  	_ =	swait.ge [sflag:s7], $0x400  }
0x15d: {  	[sflag:s7] =	ssyncset.done $0x0  }
0x15e: {  	[sflag:s7] =	ssyncadd.s32 $0xFFFFFC00  }
0x15f: {  	_ =	swait.ge [sflag:s6], $0x400  }
0x160: {  	[sflag:s6] =	ssyncset.done $0x0  }
0x161: {  	[sflag:s6] =	ssyncadd.s32 $0xFFFFFC00  }
0x162: {  	_ =	swait.ge [sflag:s7], $0x400  }
0x163: {  	[sflag:s7] =	ssyncset.done $0x0  }
0x164: {  	[sflag:s7] =	ssyncadd.s32 $0xFFFFFC00  }
0x165: {  	_ =	swait.ge [sflag:s6], $0x400  }
0x166: {  	[sflag:s6] =	ssyncset.done $0x0  }
0x167: {  	[sflag:s6] =	ssyncadd.s32 $0xFFFFFC00  }
0x168: {  	_ =	swait.ge [sflag:s7], $0x400  }
0x169: {  	[sflag:s7] =	ssyncset.done $0x0  }
0x16a: {  	[sflag:s7] =	ssyncadd.s32 $0xFFFFFC00  }
0x16b: {  	_ =	swait.ge [sflag:s6], $0x400  }
0x16c: {  	[sflag:s6] =	ssyncset.done $0x0  }
0x16d: {  	[sflag:s6] =	ssyncadd.s32 $0xFFFFFC00  }
0x16e: {  	_ =	swait.ge [sflag:s7], $0x400  }
0x16f: {  	[sflag:s7] =	ssyncset.done $0x0  }
0x170: {  	[sflag:s7] =	ssyncadd.s32 $0xFFFFFC00  }
0x171: {  	_ =	swait.ge [sflag:s6], $0x400  }
0x172: {  	[sflag:s6] =	ssyncset.done $0x0  }
0x173: {  	s15 =	rddreg [dreg:$0x5];
	[sflag:s6] =	ssyncadd.s32 $0xFFFFFC00  }
0x174: {  	[hbm4b:s15+s2] =	stream.linear.scatter [tilespmem:s5], [sflag:$0x3], $0x4000, $0x38;
	[tilespmem:$0x8100] =	vst v63  }
0x175: {  	p1 =	sne.s32 s1, $0x1;
	_ =	swait.ge [sflag:s3], $0x4000  }
.Ltmp2:
0x176: {  	[sflag:s3] =	ssyncset.done $0x0;
	(pc) =	sbr.rel @p1 .LBB2_4-.Ltmp2, $4  }
0x177: {  	s15 =	rddreg [dreg:$0x6];
	[sflag:s3] =	ssyncadd.s32 $0xFFFFC000  }
0x178: {  	[hbm4b:s15+s2] =	stream.linear.scatter [tilespmem:s4], [sflag:$0x3], $0x4000, $0x38;
	[tilespmem:$0x8100] =	vst v63  }
0x179: {  	_ =	swait.ge [sflag:s3], $0x4000  }
0x17a: {  	s1 =	sadd.s32 $0xFFFFFFFF, s1;
	s0 =	rddreg [dreg:$0x4];
	[sflag:s3] =	ssyncset.done $0x0  }
0x17b: {  	s15 =	simm.s32 $0x7D00;
	s26 =	simm.s32 $0x3D00;
	s25 =	simm.s32 $0x7900  }
0x17c: {  	s23 =	simm.s32 $0x3900;
	s18 =	simm.s32 $0x7500;
	s16 =	simm.s32 $0x3500  }
.LBB2_6:
0x17d: {  	[sflag:s3] =	ssyncadd.s32 @p0 $0xFFFFC000  }
0x17e: {  	[tilespmem:s2], [sflag:$0x3] =	stream.linear.gather [hbm4b:s0+s2], $0x100, $0x38;
	[tilespmem:$0x8100] =	vst v63  }
0x17f: {  	_ =	swait.ge [sflag:s3], $0x100  }
0x180: {  	[sflag:s3] =	ssyncset.done $0x0  }
0x181: {  	[sflag:s3] =	ssyncadd.s32 $0xFFFFFF00  }
0x182: {  	[tilespmem:s5], [sflag:$0x1] =	stream.indirect.gather [hbm4b:s8+s10], $0x40, s2, s10, $0xb8;
	[tilespmem:$0x8100] =	vst v63  }
0x183: {  	_ = 	snop  }
0x184: {  	[tilespmem:s4], [sflag:$0x2] =	stream.indirect.gather [hbm4b:s9+s10], $0x40, s2, s10, $0xb8;
	[tilespmem:$0x8100] =	vst v63  }
0x185: {  	s0 =	rddreg [dreg:$0x7]  }
0x186: {  	[tilespmem:s0], [sflag:$0x1] =	stream.indirect.gather [hbm4b:s8+s10], $0x40, s10, s10, $0xb8;
	[tilespmem:$0x8100] =	vst v63  }
0x187: {  	s1 =	rddreg [dreg:$0x8]  }
0x188: {  	[tilespmem:s1], [sflag:$0x2] =	stream.indirect.gather [hbm4b:s9+s10], $0x40, s10, s10, $0xb8;
	[tilespmem:$0x8100] =	vst v63  }
0x189: {  	s0 =	rddreg [dreg:$0x9]  }
0x18a: {  	[tilespmem:s0], [sflag:$0x1] =	stream.indirect.gather [hbm4b:s8+s10], $0x40, s31, s10, $0xb8;
	[tilespmem:$0x8100] =	vst v63  }
0x18b: {  	s1 =	rddreg [dreg:$0xa]  }
0x18c: {  	[tilespmem:s1], [sflag:$0x2] =	stream.indirect.gather [hbm4b:s9+s10], $0x40, s31, s10, $0xb8;
	[tilespmem:$0x8100] =	vst v63  }
0x18d: {  	s0 =	rddreg [dreg:$0xb]  }
0x18e: {  	[tilespmem:s0], [sflag:$0x1] =	stream.indirect.gather [hbm4b:s8+s10], $0x40, s30, s10, $0xb8;
	[tilespmem:$0x8100] =	vst v63  }
0x18f: {  	s1 =	rddreg [dreg:$0xc]  }
0x190: {  	[tilespmem:s1], [sflag:$0x2] =	stream.indirect.gather [hbm4b:s9+s10], $0x40, s30, s10, $0xb8;
	[tilespmem:$0x8100] =	vst v63  }
0x191: {  	s31 =	rddreg [dreg:$0xd]  }
0x192: {  	[tilespmem:s31], [sflag:$0x1] =	stream.indirect.gather [hbm4b:s8+s10], $0x40, s29, s10, $0xb8;
	[tilespmem:$0x8100] =	vst v63  }
0x193: {  	s30 =	rddreg [dreg:$0xe]  }
0x194: {  	[tilespmem:s30], [sflag:$0x2] =	stream.indirect.gather [hbm4b:s9+s10], $0x40, s29, s10, $0xb8;
	[tilespmem:$0x8100] =	vst v63  }
0x195: {  	s31 =	rddreg [dreg:$0xf]  }
0x196: {  	[tilespmem:s31], [sflag:$0x1] =	stream.indirect.gather [hbm4b:s8+s10], $0x40, s28, s10, $0xb8;
	[tilespmem:$0x8100] =	vst v63  }
0x197: {  	s30 =	rddreg [dreg:$0x10]  }
0x198: {  	[tilespmem:s30], [sflag:$0x2] =	stream.indirect.gather [hbm4b:s9+s10], $0x40, s28, s10, $0xb8;
	[tilespmem:$0x8100] =	vst v63  }
0x199: {  	s31 =	rddreg [dreg:$0x11]  }
0x19a: {  	[tilespmem:s31], [sflag:$0x1] =	stream.indirect.gather [hbm4b:s8+s10], $0x40, s24, s10, $0xb8;
	[tilespmem:$0x8100] =	vst v63  }
0x19b: {  	s29 =	rddreg [dreg:$0x12]  }
0x19c: {  	[tilespmem:s29], [sflag:$0x2] =	stream.indirect.gather [hbm4b:s9+s10], $0x40, s24, s10, $0xb8;
	[tilespmem:$0x8100] =	vst v63  }
0x19d: {  	s30 =	rddreg [dreg:$0x13]  }
0x19e: {  	[tilespmem:s30], [sflag:$0x1] =	stream.indirect.gather [hbm4b:s8+s10], $0x40, s22, s10, $0xb8;
	[tilespmem:$0x8100] =	vst v63  }
0x19f: {  	s31 =	rddreg [dreg:$0x14]  }
0x1a0: {  	[tilespmem:s31], [sflag:$0x2] =	stream.indirect.gather [hbm4b:s9+s10], $0x40, s22, s10, $0xb8;
	[tilespmem:$0x8100] =	vst v63  }
0x1a1: {  	s24 =	rddreg [dreg:$0x15]  }
0x1a2: {  	[tilespmem:s24], [sflag:$0x1] =	stream.indirect.gather [hbm4b:s8+s10], $0x40, s20, s10, $0xb8;
	[tilespmem:$0x8100] =	vst v63  }
0x1a3: {  	s28 =	rddreg [dreg:$0x16]  }
0x1a4: {  	[tilespmem:s28], [sflag:$0x2] =	stream.indirect.gather [hbm4b:s9+s10], $0x40, s20, s10, $0xb8;
	[tilespmem:$0x8100] =	vst v63  }
0x1a5: {  	s29 =	rddreg [dreg:$0x17]  }
0x1a6: {  	[tilespmem:s29], [sflag:$0x1] =	stream.indirect.gather [hbm4b:s8+s10], $0x40, s19, s10, $0xb8;
	[tilespmem:$0x8100] =	vst v63  }
0x1a7: {  	s30 =	rddreg [dreg:$0x18]  }
0x1a8: {  	[tilespmem:s30], [sflag:$0x2] =	stream.indirect.gather [hbm4b:s9+s10], $0x40, s19, s10, $0xb8;
	[tilespmem:$0x8100] =	vst v63  }
0x1a9: {  	s31 =	rddreg [dreg:$0x19]  }
0x1aa: {  	[tilespmem:s31], [sflag:$0x1] =	stream.indirect.gather [hbm4b:s8+s10], $0x40, s17, s10, $0xb8;
	[tilespmem:$0x8100] =	vst v63  }
0x1ab: {  	s19 =	rddreg [dreg:$0x1a]  }
0x1ac: {  	[tilespmem:s19], [sflag:$0x2] =	stream.indirect.gather [hbm4b:s9+s10], $0x40, s17, s10, $0xb8;
	[tilespmem:$0x8100] =	vst v63  }
0x1ad: {  	s20 =	rddreg [dreg:$0x1b]  }
0x1ae: {  	[tilespmem:s20], [sflag:$0x1] =	stream.indirect.gather [hbm4b:s8+s10], $0x40, s14, s10, $0xb8;
	[tilespmem:$0x8100] =	vst v63  }
0x1af: {  	s22 =	rddreg [dreg:$0x1c]  }
0x1b0: {  	[tilespmem:s22], [sflag:$0x2] =	stream.indirect.gather [hbm4b:s9+s10], $0x40, s14, s10, $0xb8;
	[tilespmem:$0x8100] =	vst v63  }
0x1b1: {  	s24 =	rddreg [dreg:$0x1d]  }
0x1b2: {  	[tilespmem:s24], [sflag:$0x1] =	stream.indirect.gather [hbm4b:s8+s10], $0x40, s11, s10, $0xb8;
	[tilespmem:$0x8100] =	vst v63  }
0x1b3: {  	s28 =	rddreg [dreg:$0x1e]  }
0x1b4: {  	[tilespmem:s28], [sflag:$0x2] =	stream.indirect.gather [hbm4b:s9+s10], $0x40, s11, s10, $0xb8;
	[tilespmem:$0x8100] =	vst v63  }
0x1b5: {  	_ = 	snop  }
0x1b6: {  	[tilespmem:s16], [sflag:$0x1] =	stream.indirect.gather [hbm4b:s8+s10], $0x40, s12, s10, $0xb8;
	[tilespmem:$0x8100] =	vst v63  }
0x1b7: {  	_ = 	snop  }
0x1b8: {  	[tilespmem:s18], [sflag:$0x2] =	stream.indirect.gather [hbm4b:s9+s10], $0x40, s12, s10, $0xb8;
	[tilespmem:$0x8100] =	vst v63  }
0x1b9: {  	_ = 	snop  }
0x1ba: {  	[tilespmem:s23], [sflag:$0x1] =	stream.indirect.gather [hbm4b:s8+s10], $0x40, s13, s10, $0xb8;
	[tilespmem:$0x8100] =	vst v63  }
0x1bb: {  	_ = 	snop  }
0x1bc: {  	[tilespmem:s25], [sflag:$0x2] =	stream.indirect.gather [hbm4b:s9+s10], $0x40, s13, s10, $0xb8;
	[tilespmem:$0x8100] =	vst v63  }
0x1bd: {  	_ = 	snop  }
0x1be: {  	[tilespmem:s26], [sflag:$0x1] =	stream.indirect.gather [hbm4b:s8+s10], $0x40, s21, s10, $0xb8;
	[tilespmem:$0x8100] =	vst v63  }
0x1bf: {  	_ = 	snop  }
0x1c0: {  	[tilespmem:s15], [sflag:$0x2] =	stream.indirect.gather [hbm4b:s9+s10], $0x40, s21, s10, $0xb8;
	[tilespmem:$0x8100] =	vst v63  }
0x1c1: {  	_ =	swait.ge [sflag:s7], $0x400  }
0x1c2: {  	[sflag:s7] =	ssyncset.done $0x0  }
0x1c3: {  	[sflag:s7] =	ssyncadd.s32 $0xFFFFFC00  }
0x1c4: {  	_ =	swait.ge [sflag:s6], $0x400  }
0x1c5: {  	[sflag:s6] =	ssyncset.done $0x0  }
0x1c6: {  	[sflag:s6] =	ssyncadd.s32 $0xFFFFFC00  }
0x1c7: {  	_ =	swait.ge [sflag:s7], $0x400  }
0x1c8: {  	[sflag:s7] =	ssyncset.done $0x0  }
0x1c9: {  	[sflag:s7] =	ssyncadd.s32 $0xFFFFFC00  }
0x1ca: {  	_ =	swait.ge [sflag:s6], $0x400  }
0x1cb: {  	[sflag:s6] =	ssyncset.done $0x0  }
0x1cc: {  	[sflag:s6] =	ssyncadd.s32 $0xFFFFFC00  }
0x1cd: {  	_ =	swait.ge [sflag:s7], $0x400  }
0x1ce: {  	[sflag:s7] =	ssyncset.done $0x0  }
0x1cf: {  	[sflag:s7] =	ssyncadd.s32 $0xFFFFFC00  }
0x1d0: {  	_ =	swait.ge [sflag:s6], $0x400  }
0x1d1: {  	[sflag:s6] =	ssyncset.done $0x0  }
0x1d2: {  	[sflag:s6] =	ssyncadd.s32 $0xFFFFFC00  }
0x1d3: {  	_ =	swait.ge [sflag:s7], $0x400  }
0x1d4: {  	[sflag:s7] =	ssyncset.done $0x0  }
0x1d5: {  	[sflag:s7] =	ssyncadd.s32 $0xFFFFFC00  }
0x1d6: {  	_ =	swait.ge [sflag:s6], $0x400  }
0x1d7: {  	[sflag:s6] =	ssyncset.done $0x0  }
0x1d8: {  	[sflag:s6] =	ssyncadd.s32 $0xFFFFFC00  }
0x1d9: {  	_ =	swait.ge [sflag:s7], $0x400  }
0x1da: {  	[sflag:s7] =	ssyncset.done $0x0  }
0x1db: {  	[sflag:s7] =	ssyncadd.s32 $0xFFFFFC00  }
0x1dc: {  	_ =	swait.ge [sflag:s6], $0x400  }
0x1dd: {  	[sflag:s6] =	ssyncset.done $0x0  }
0x1de: {  	[sflag:s6] =	ssyncadd.s32 $0xFFFFFC00  }
0x1df: {  	_ =	swait.ge [sflag:s7], $0x400  }
0x1e0: {  	[sflag:s7] =	ssyncset.done $0x0  }
0x1e1: {  	[sflag:s7] =	ssyncadd.s32 $0xFFFFFC00  }
0x1e2: {  	_ =	swait.ge [sflag:s6], $0x400  }
0x1e3: {  	[sflag:s6] =	ssyncset.done $0x0  }
0x1e4: {  	[sflag:s6] =	ssyncadd.s32 $0xFFFFFC00  }
0x1e5: {  	_ =	swait.ge [sflag:s7], $0x400  }
0x1e6: {  	[sflag:s7] =	ssyncset.done $0x0  }
0x1e7: {  	[sflag:s7] =	ssyncadd.s32 $0xFFFFFC00  }
0x1e8: {  	_ =	swait.ge [sflag:s6], $0x400  }
0x1e9: {  	[sflag:s6] =	ssyncset.done $0x0  }
0x1ea: {  	[sflag:s6] =	ssyncadd.s32 $0xFFFFFC00  }
0x1eb: {  	_ =	swait.ge [sflag:s7], $0x400  }
0x1ec: {  	[sflag:s7] =	ssyncset.done $0x0  }
0x1ed: {  	[sflag:s7] =	ssyncadd.s32 $0xFFFFFC00  }
0x1ee: {  	_ =	swait.ge [sflag:s6], $0x400  }
0x1ef: {  	[sflag:s6] =	ssyncset.done $0x0  }
0x1f0: {  	[sflag:s6] =	ssyncadd.s32 $0xFFFFFC00  }
0x1f1: {  	_ =	swait.ge [sflag:s7], $0x400  }
0x1f2: {  	[sflag:s7] =	ssyncset.done $0x0  }
0x1f3: {  	[sflag:s7] =	ssyncadd.s32 $0xFFFFFC00  }
0x1f4: {  	_ =	swait.ge [sflag:s6], $0x400  }
0x1f5: {  	[sflag:s6] =	ssyncset.done $0x0  }
0x1f6: {  	[sflag:s6] =	ssyncadd.s32 $0xFFFFFC00  }
0x1f7: {  	_ =	swait.ge [sflag:s7], $0x400  }
0x1f8: {  	[sflag:s7] =	ssyncset.done $0x0  }
0x1f9: {  	[sflag:s7] =	ssyncadd.s32 $0xFFFFFC00  }
0x1fa: {  	_ =	swait.ge [sflag:s6], $0x400  }
0x1fb: {  	[sflag:s6] =	ssyncset.done $0x0  }
0x1fc: {  	[sflag:s6] =	ssyncadd.s32 $0xFFFFFC00  }
0x1fd: {  	_ =	swait.ge [sflag:s7], $0x400  }
0x1fe: {  	[sflag:s7] =	ssyncset.done $0x0  }
0x1ff: {  	[sflag:s7] =	ssyncadd.s32 $0xFFFFFC00  }
0x200: {  	_ =	swait.ge [sflag:s6], $0x400  }
0x201: {  	[sflag:s6] =	ssyncset.done $0x0  }
0x202: {  	[sflag:s6] =	ssyncadd.s32 $0xFFFFFC00  }
0x203: {  	_ =	swait.ge [sflag:s7], $0x400  }
0x204: {  	[sflag:s7] =	ssyncset.done $0x0  }
0x205: {  	[sflag:s7] =	ssyncadd.s32 $0xFFFFFC00  }
0x206: {  	_ =	swait.ge [sflag:s6], $0x400  }
0x207: {  	[sflag:s6] =	ssyncset.done $0x0  }
0x208: {  	[sflag:s6] =	ssyncadd.s32 $0xFFFFFC00  }
0x209: {  	_ =	swait.ge [sflag:s7], $0x400  }
0x20a: {  	[sflag:s7] =	ssyncset.done $0x0  }
0x20b: {  	[sflag:s7] =	ssyncadd.s32 $0xFFFFFC00  }
0x20c: {  	_ =	swait.ge [sflag:s6], $0x400  }
0x20d: {  	[sflag:s6] =	ssyncset.done $0x0  }
0x20e: {  	[sflag:s6] =	ssyncadd.s32 $0xFFFFFC00  }
0x20f: {  	_ =	swait.ge [sflag:s7], $0x400  }
0x210: {  	[sflag:s7] =	ssyncset.done $0x0  }
0x211: {  	[sflag:s7] =	ssyncadd.s32 $0xFFFFFC00  }
0x212: {  	_ =	swait.ge [sflag:s6], $0x400  }
0x213: {  	[sflag:s6] =	ssyncset.done $0x0  }
0x214: {  	[sflag:s6] =	ssyncadd.s32 $0xFFFFFC00  }
0x215: {  	_ =	swait.ge [sflag:s7], $0x400  }
0x216: {  	[sflag:s7] =	ssyncset.done $0x0  }
0x217: {  	[sflag:s7] =	ssyncadd.s32 $0xFFFFFC00  }
0x218: {  	_ =	swait.ge [sflag:s6], $0x400  }
0x219: {  	[sflag:s6] =	ssyncset.done $0x0  }
0x21a: {  	[sflag:s6] =	ssyncadd.s32 $0xFFFFFC00  }
0x21b: {  	_ =	swait.ge [sflag:s7], $0x400  }
0x21c: {  	[sflag:s7] =	ssyncset.done $0x0  }
0x21d: {  	[sflag:s7] =	ssyncadd.s32 $0xFFFFFC00  }
0x21e: {  	_ =	swait.ge [sflag:s6], $0x400  }
0x21f: {  	[sflag:s6] =	ssyncset.done $0x0  }
0x220: {  	s29 =	rddreg [dreg:$0x5];
	[sflag:s6] =	ssyncadd.s32 $0xFFFFFC00  }
0x221: {  	[hbm4b:s29+s2] =	stream.linear.scatter [tilespmem:s5], [sflag:$0x3], $0x4000, $0x38;
	[tilespmem:$0x8100] =	vst v63  }
0x222: {  	_ =	swait.ge [sflag:s3], $0x4000  }
0x223: {  	[sflag:s3] =	ssyncset.done $0x0  }
0x224: {  	s30 =	rddreg [dreg:$0x6];
	[sflag:s3] =	ssyncadd.s32 $0xFFFFC000  }
0x225: {  	[hbm4b:s30+s2] =	stream.linear.scatter [tilespmem:s4], [sflag:$0x3], $0x4000, $0x38;
	[tilespmem:$0x8100] =	vst v63  }
0x226: {  	_ =	swait.ge [sflag:s3], $0x4000  }
0x227: {  	[sflag:s3] =	ssyncset.done $0x0  }
0x228: {  	[sflag:s3] =	ssyncadd.s32 $0xFFFFC000  }
0x229: {  	_ =	sfence.sel $0x180000  }
0x22a: {  	[bflag:$0x0] =	sbarrier.arrive $0xFFFF  }
0x22b: {  	_ =	strace $0x90000047  }
0x22c: {  	s31 =	stileid.u32;
	[bflag:$0x2] =	sbarrier.arrive $0xFFFF  }
0x22d: {  	p0 =	sne.s32 s31, $0x0;
	s0 =	rddreg [dreg:$0x3]  }
0x22e: {  	s0 =	sadd.s32 @!p0 $0x100000, s0  }
0x22f: {  	[sflag:s0] =	ssyncadd.tile.s32 @!p0 $0x1;
	_ =	shalt  }
.LBB2_1:
.Ltmp3:
0x230: {  	(pc) =	sbr.rel .LBB2_6-.Ltmp3, $3  }
0x231: {  	_ =	sdelay $0x1  }
0x232: {  	s15 =	simm.s32 $0x7D00;
	s26 =	simm.s32 $0x3D00;
	s25 =	simm.s32 $0x7900  }
0x233: {  	s23 =	simm.s32 $0x3900;
	s18 =	simm.s32 $0x7500;
	s16 =	simm.s32 $0x3500  }
.LBB2_3:
.Ltmp4:
0x234: {  	(pc) =	sbr.rel .LBB2_6-.Ltmp4, $3  }
0x235: {  	_ =	sdelay $0x1  }
0x236: {  	s15 =	simm.s32 $0x7D00;
	s26 =	simm.s32 $0x3D00;
	s25 =	simm.s32 $0x7900  }
0x237: {  	s23 =	simm.s32 $0x3900;
	s18 =	simm.s32 $0x7500;
	s16 =	simm.s32 $0x3500  }
.Lfunc_end2:
_tile_overlayer_lowered:
.L_overlay_start_2:
0x238: {  	(tag) =	ssettag $0x2  }
0x239: {  	s0 =	rddreg [dreg:$0x0];
	s2 =	stileid.u32  }
0x23a: {  	s1 =	rddreg [dreg:$0x1];
	p0 =	sne.s32 s2, $0x0  }
0x23b: {  	s3 =	rddreg [dreg:$0x2];
	[bflag:$0x3] =	sbarrier.arrive $0xFFFF;
	s2 =	simm.s32 @!p0 $0x1C03  }
0x23c: {  	[timem:s3], [sflag:s2] =	dma.local @!p0 [hbm:s0], s1  }
0x23d: {  	s0 =	simm.s32 @!p0 $0x3  }
0x23e: {  	_ =	swait.ge @!p0 [sflag:s0], s1  }
0x23f: {  	s1 =	ssub.s32 @!p0 $0x0, s1;
	[sflag:s0] =	ssyncset.done @!p0 $0x0  }
0x240: {  	[sflag:s0] =	ssyncadd.s32 @!p0 s1  }
0x241: {  	[bflag:$0x3] =	sbarrier.arrive $0xFFFF  }
0x242: {  	_ =	shalt  }

</sc_bundles>
